<compile_context>
chip_gen: v7x
topology: tpu7x:2x2x1
jax: 0.10.2.dev20260603
libtpu: 0.0.44.dev20260713+nightly
codegen_flags: <defaults>
</compile_context>

<pallas_src>
import functools

import jax
import jax.numpy as jnp
from jax import lax
from jax.experimental import pallas as pl
from jax.experimental.pallas import tpu as pltpu
from jax.experimental.pallas import tpu_sc as plsc

N = 10000
E = 320000
NC = 2
NS = 16
CHUNK = 128
EDGES_PER_SC = E // NC
CHUNKS_PER_SC = EDGES_PER_SC // CHUNK
CHUNKS_PER_TILE = -(-CHUNKS_PER_SC // NS)
NPAD = 10240
ROWS_PER_TILE = NPAD // NS


ALL_CHUNKS = E // CHUNK
ALL_CHUNKS_PER_TILE = -(-ALL_CHUNKS // NS)


def _sc_edge_stats():
    mesh = plsc.VectorSubcoreMesh(core_axis_name="c", subcore_axis_name="s",
                                  num_cores=NC, num_subcores=NS)

    @functools.partial(
        pl.kernel,
        out_type=jax.ShapeDtypeStruct((NC, NPAD, 128), jnp.float32),
        mesh=mesh,
        scratch_types=[
            pltpu.VMEM((CHUNK,), jnp.int32),
            pltpu.VMEM((CHUNK, 16), jnp.float32),
            pltpu.VMEM((CHUNK, 128), jnp.float32),
            pltpu.VMEM_SHARED((NPAD, 128), jnp.float32),
        ],
    )
    def k(ei_h, ea_h, tmpl_h, out_o, di_v, ea_v, rows_v, acc):
        cid = lax.axis_index("c")
        sid = lax.axis_index("s")
        r0 = sid * ROWS_PER_TILE
        pltpu.sync_copy(tmpl_h.at[1], rows_v)
        for j in range(ROWS_PER_TILE // CHUNK):
            pltpu.sync_copy(rows_v, acc.at[pl.ds(r0 + j * CHUNK, CHUNK)])
        pltpu.sync_copy(tmpl_h.at[0], rows_v)
        plsc.subcore_barrier()

        key_row = 1 - cid

        def body(kk, _):
            c_id = sid + kk * NS

            @pl.when(c_id < ALL_CHUNKS)
            def _():
                base = c_id * CHUNK
                pltpu.sync_copy(ei_h.at[key_row, pl.ds(base, CHUNK)], di_v)
                pltpu.sync_copy(ea_h.at[pl.ds(base, CHUNK)], ea_v)

                def cp(r, _):
                    rows_v[r, pl.ds(0, 16)] = ea_v[r]
                    return ()

                lax.fori_loop(0, CHUNK, cp, ())
                pltpu.sync_copy(rows_v, acc.at[di_v], add=True)
            return ()

        lax.fori_loop(0, ALL_CHUNKS_PER_TILE, body, ())
        plsc.subcore_barrier()
        for j in range(ROWS_PER_TILE // CHUNK):
            rr = r0 + j * CHUNK
            pltpu.sync_copy(acc.at[pl.ds(rr, CHUNK)], rows_v)
            pltpu.sync_copy(rows_v, out_o.at[cid, pl.ds(rr, CHUNK)])

    return k


def _sc_gather_scatter(width):
    mesh = plsc.VectorSubcoreMesh(core_axis_name="c", subcore_axis_name="s",
                                  num_cores=NC, num_subcores=NS)

    @functools.partial(
        pl.kernel,
        out_type=jax.ShapeDtypeStruct((NC, NPAD, width), jnp.float32),
        mesh=mesh,
        scratch_types=[
            pltpu.VMEM((CHUNK,), jnp.int32),
            pltpu.VMEM((CHUNK,), jnp.int32),
            pltpu.VMEM((CHUNK, width), jnp.float32),
            pltpu.VMEM_SHARED((NPAD, width), jnp.float32),
            pltpu.SemaphoreType.DMA,
        ],
    )
    def k(table_h, src_h, dst_h, z_h, out_o, si_v, di_v, rows_v, acc, sem):
        cid = lax.axis_index("c")
        sid = lax.axis_index("s")
        r0 = sid * ROWS_PER_TILE
        pltpu.sync_copy(z_h, rows_v)
        for j in range(ROWS_PER_TILE // CHUNK):
            pltpu.sync_copy(rows_v, acc.at[pl.ds(r0 + j * CHUNK, CHUNK)])
        plsc.subcore_barrier()

        sc_base = cid * EDGES_PER_SC

        def body(kk, _):
            c_id = sid + kk * NS

            @pl.when(c_id < CHUNKS_PER_SC)
            def _():
                base = sc_base + c_id * CHUNK
                pltpu.sync_copy(src_h.at[pl.ds(base, CHUNK)], si_v)
                pltpu.sync_copy(dst_h.at[pl.ds(base, CHUNK)], di_v)
                pltpu.async_copy(table_h.at[si_v], rows_v, sem).wait()
                pltpu.sync_copy(rows_v, acc.at[di_v], add=True)
            return ()

        lax.fori_loop(0, CHUNKS_PER_TILE, body, ())
        plsc.subcore_barrier()
        for j in range(ROWS_PER_TILE // CHUNK):
            rr = r0 + j * CHUNK
            pltpu.sync_copy(acc.at[pl.ds(rr, CHUNK)], rows_v)
            pltpu.sync_copy(rows_v, out_o.at[cid, pl.ds(rr, CHUNK)])

    return k


BLK = 1000


def _tc_encode(x, W1, stats, We, be):
    def body(x_r, st_r, w1_r, we_r, be_r, t1_o, g_o):
        st = st_r[...]
        r_out = lax.rsqrt(jnp.maximum(st[1, :, 16:17], 1.0))
        s1 = jnp.dot(x_r[...], w1_r[...], preferred_element_type=jnp.float32)
        t1_o[...] = s1 * r_out
        ea_sum = st[0, :, 0:16] + st[1, :, 0:16]
        g_o[...] = jnp.maximum(
            jnp.dot(ea_sum, we_r[...], preferred_element_type=jnp.float32)
            + be_r[...], 0.0)

    grid = (N // BLK,)
    return pl.pallas_call(
        body,
        grid=grid,
        in_specs=[
            pl.BlockSpec((BLK, 128), lambda i: (i, 0)),
            pl.BlockSpec((NC, BLK, 128), lambda i: (0, i, 0)),
            pl.BlockSpec((128, 128), lambda i: (0, 0)),
            pl.BlockSpec((16, 128), lambda i: (0, 0)),
            pl.BlockSpec((1, 128), lambda i: (0, 0)),
        ],
        out_specs=[
            pl.BlockSpec((BLK, 128), lambda i: (i, 0)),
            pl.BlockSpec((BLK, 128), lambda i: (i, 0)),
        ],
        out_shape=[
            jax.ShapeDtypeStruct((N, 128), jnp.float32),
            jax.ShapeDtypeStruct((N, 128), jnp.float32),
        ],
    )(x, stats, W1, We, be)


def _tc_mid(agg1, g, stats, W2, b1):
    def body(a_r, g_r, st_r, w2_r, b1_r, t2_o):
        a = a_r[...]
        agg = a[0] + a[1]
        st = st_r[...]
        r_in = lax.rsqrt(jnp.maximum(st[0, :, 16:17], 1.0))
        r_out = lax.rsqrt(jnp.maximum(st[1, :, 16:17], 1.0))
        h = jnp.maximum(agg * r_in + b1_r[...], 0.0)
        w2 = w2_r[...]
        s2 = (jnp.dot(h, w2[:128], preferred_element_type=jnp.float32)
              + jnp.dot(g_r[...], w2[128:], preferred_element_type=jnp.float32))
        t2_o[...] = jnp.concatenate(
            [s2 * r_out, jnp.zeros((BLK, 64), jnp.float32)], axis=1)

    grid = (N // BLK,)
    return pl.pallas_call(
        body,
        grid=grid,
        in_specs=[
            pl.BlockSpec((NC, BLK, 128), lambda i: (0, i, 0)),
            pl.BlockSpec((BLK, 128), lambda i: (i, 0)),
            pl.BlockSpec((NC, BLK, 128), lambda i: (0, i, 0)),
            pl.BlockSpec((256, 64), lambda i: (0, 0)),
            pl.BlockSpec((1, 128), lambda i: (0, 0)),
        ],
        out_specs=pl.BlockSpec((BLK, 128), lambda i: (i, 0)),
        out_shape=jax.ShapeDtypeStruct((N, 128), jnp.float32),
    )(agg1, g, stats, W2, b1)


def _tc_final(agg2, stats, b2):
    def body(a_r, st_r, b2_r, o_o):
        a = a_r[...]
        st = st_r[...]
        r_in = lax.rsqrt(jnp.maximum(st[0, :, 16:17], 1.0))
        o_o[...] = (a[0, :, :64] + a[1, :, :64]) * r_in + b2_r[...]

    grid = (N // BLK,)
    return pl.pallas_call(
        body,
        grid=grid,
        in_specs=[
            pl.BlockSpec((NC, BLK, 128), lambda i: (0, i, 0)),
            pl.BlockSpec((NC, BLK, 128), lambda i: (0, i, 0)),
            pl.BlockSpec((1, 64), lambda i: (0, 0)),
        ],
        out_specs=pl.BlockSpec((BLK, 64), lambda i: (i, 0)),
        out_shape=jax.ShapeDtypeStruct((N, 64), jnp.float32),
    )(agg2, stats, b2)


def kernel(x, edge_attr, edge_index, W1, b1, We, be, W2, b2):
    src = edge_index[0]
    dst = edge_index[1]
    z128 = jnp.zeros((CHUNK, 128), jnp.float32)
    tmpl = jnp.zeros((2, CHUNK, 128), jnp.float32).at[0, :, 16].set(1.0)

    stats = _sc_edge_stats()(edge_index, edge_attr, tmpl)
    table1, g = _tc_encode(x, W1, stats, We, be.reshape(1, -1))
    agg1 = _sc_gather_scatter(128)(table1, src, dst, z128)
    table2 = _tc_mid(agg1, g, stats, W2, b1.reshape(1, -1))
    agg2 = _sc_gather_scatter(128)(table2, src, dst, z128)
    return _tc_final(agg2, stats, b2.reshape(1, -1))

# --- scband reference (transcript-rebuilt; emitter-appended) ---
"""Pipeline reference for scband-net-84756884620002 (READ-ONLY COPY).

The authoritative reference and input builder live on the scoring server;
editing this copy changes nothing except your own understanding.
"""

import jax, jax.numpy as jnp
import numpy as np

N, E = 10000, 320000
NFEAT, EFEAT, HID, OUT = 128, 16, 128, 64


def setup_inputs(seed: int = 0) -> dict:
    key = jax.random.key(seed)
    ks = jax.random.split(key, 9)
    x = jax.random.normal(ks[0], (N, NFEAT), dtype=jnp.float32)
    edge_attr = jax.random.normal(ks[1], (E, EFEAT), dtype=jnp.float32)
    edge_index = jax.random.randint(ks[2], (2, E), 0, N, dtype=jnp.int32)
    W1 = jax.random.normal(ks[3], (NFEAT, HID), dtype=jnp.float32) * (1.0 / np.sqrt(NFEAT))
    b1 = jnp.zeros((HID,), dtype=jnp.float32)
    We = jax.random.normal(ks[4], (EFEAT, HID), dtype=jnp.float32) * (1.0 / np.sqrt(EFEAT))
    be = jnp.zeros((HID,), dtype=jnp.float32)
    W2 = jax.random.normal(ks[5], (2 * HID, OUT), dtype=jnp.float32) * (1.0 / np.sqrt(2 * HID))
    b2 = jnp.zeros((OUT,), dtype=jnp.float32)
    return {"x": x, "edge_attr": edge_attr, "edge_index": edge_index,
            "W1": W1, "b1": b1, "We": We, "be": be, "W2": W2, "b2": b2}


def reference(x, edge_attr, edge_index, W1, b1, We, be, W2, b2):
    # encode(): GCNConv(x, adj) with adj given in COO form (edge_index),
    # EdgeGCNConv(y, inc) with incidence aggregation edge->both endpoint nodes.
    src = edge_index[0]
    dst = edge_index[1]
    n = x.shape[0]
    ones = jnp.ones((src.shape[0],), dtype=jnp.float32)
    deg_in = jax.ops.segment_sum(ones, dst, num_segments=n)
    deg_out = jax.ops.segment_sum(ones, src, num_segments=n)
    coef = jax.lax.rsqrt(jnp.clip(deg_out[src], 1.0) * jnp.clip(deg_in[dst], 1.0))

    def gcn(h, W, b):
        s = h @ W                      # dense transform
        m = jnp.take(s, src, axis=0) * coef[:, None]   # gather along edges
        return jax.ops.segment_sum(m, dst, num_segments=n) + b  # scatter-add

    h = jax.nn.relu(gcn(x, W1, b1))
    # edge conv: inc @ (y @ We); each edge's transformed feature is summed into both endpoints
    se = edge_attr @ We
    g = jnp.zeros((n, We.shape[1]), dtype=jnp.float32)
    g = g.at[dst].add(se)
    g = g.at[src].add(se)
    g = jax.nn.relu(g + be)
    # dropout is identity in eval mode
    z = jnp.concatenate([h, g], axis=1)
    z = gcn(z, W2, b2)
    return z

if __name__ == "__main__":
    import jax
    _d = setup_inputs()
    print(jax.jit(kernel)(*tuple(_d.values())))

</pallas_src>

<mosaic_0001>
#map = affine_map<(d0, d1) -> (0, 0)>
#map1 = affine_map<(d0, d1) -> (0, 0, 0)>
module attributes {stable_mosaic.version = 14 : i64} {
  func.func @k(%arg0: i32, %arg1: i32, %arg2: memref<2x320000xi32, #tpu.memory_space<hbm>>, %arg3: memref<320000x16xf32, #tpu.memory_space<hbm>>, %arg4: memref<2x128x128xf32, #tpu.memory_space<hbm>>, %arg5: memref<2x10240x128xf32, #tpu.memory_space<hbm>>, %arg6: memref<128xi32, #tpu.memory_space<vmem>>, %arg7: memref<128x16xf32, #tpu.memory_space<vmem>>, %arg8: memref<128x128xf32, #tpu.memory_space<vmem>>, %arg9: memref<10240x128xf32, #tpu.memory_space<vmem_shared>>) attributes {dimension_semantics = [#tpu.dimension_semantics<core_parallel>, #tpu.dimension_semantics<subcore_parallel>], iteration_bounds = array<i64: 2, 16>, scalar_prefetch = 0 : i64, scratch_operands = 4 : i64, tpu.core_type = #tpu.core_type<sc_vector_subcore>, window_params = [{transform_indices = #map}, {transform_indices = #map}, {transform_indices = #map1}, {transform_indices = #map1}]} {
    %mul3A = arith.constant 640 : i32
    %mul3A_0 = arith.muli %arg1, %mul3A : i32
    %run_scoped3A = arith.constant 1 : i32
    "tpu.region"() ({
      %run_scoped3A_27 = tpu.sem_alloc : memref<!tpu.dma_semaphore, #tpu.memory_space<semaphore_mem>>
      %dma_start3A = arith.constant 0 : i32
      %dma_start3A_28 = arith.constant 0 : i32
      %dma_start3A_29 = tpu.memref_slice %arg4[%run_scoped3A, %dma_start3A, %dma_start3A_28] : memref<2x128x128xf32, #tpu.memory_space<hbm>> -> memref<1x128x128xf32, #tpu.memory_space<hbm>>
      %dma_start3A_30 = tpu.memref_squeeze %dma_start3A_29 : memref<1x128x128xf32, #tpu.memory_space<hbm>> -> memref<128x128xf32, #tpu.memory_space<hbm>>
      %dma_start3A_31 = arith.constant 0 : i32
      %dma_start3A_32 = arith.constant 0 : i32
      %dma_start3A_33 = tpu.memref_slice %arg4[%run_scoped3A, %dma_start3A_31, %dma_start3A_32] : memref<2x128x128xf32, #tpu.memory_space<hbm>> -> memref<1x128x128xf32, #tpu.memory_space<hbm>>
      %dma_start3A_34 = tpu.memref_squeeze %dma_start3A_33 : memref<1x128x128xf32, #tpu.memory_space<hbm>> -> memref<128x128xf32, #tpu.memory_space<hbm>>
      tpu.enqueue_dma source(%dma_start3A_34 : memref<128x128xf32, #tpu.memory_space<hbm>>) target(%arg8 : memref<128x128xf32, #tpu.memory_space<vmem>>) target_semaphore(%run_scoped3A_27 : memref<!tpu.dma_semaphore, #tpu.memory_space<semaphore_mem>>)
      %dma_wait3A = arith.constant 0 : i32
      %dma_wait3A_35 = arith.constant 0 : i32
      %dma_wait3A_36 = tpu.memref_slice %arg4[%run_scoped3A, %dma_wait3A, %dma_wait3A_35] : memref<2x128x128xf32, #tpu.memory_space<hbm>> -> memref<1x128x128xf32, #tpu.memory_space<hbm>>
      %dma_wait3A_37 = tpu.memref_squeeze %dma_wait3A_36 : memref<1x128x128xf32, #tpu.memory_space<hbm>> -> memref<128x128xf32, #tpu.memory_space<hbm>>
      %dma_wait3A_38 = arith.constant 0 : i32
      %dma_wait3A_39 = arith.constant 0 : i32
      %dma_wait3A_40 = tpu.memref_slice %arg4[%run_scoped3A, %dma_wait3A_38, %dma_wait3A_39] : memref<2x128x128xf32, #tpu.memory_space<hbm>> -> memref<1x128x128xf32, #tpu.memory_space<hbm>>
      %dma_wait3A_41 = tpu.memref_squeeze %dma_wait3A_40 : memref<1x128x128xf32, #tpu.memory_space<hbm>> -> memref<128x128xf32, #tpu.memory_space<hbm>>
      tpu.wait_dma2 semaphore(%run_scoped3A_27 : memref<!tpu.dma_semaphore, #tpu.memory_space<semaphore_mem>>) src(%dma_wait3A_41 : memref<128x128xf32, #tpu.memory_space<hbm>>) dst(%arg8 : memref<128x128xf32, #tpu.memory_space<vmem>>)
      tpu.yield
    }) : () -> ()
    %add3A = arith.constant 0 : i32
    %add3A_1 = arith.addi %mul3A_0, %add3A : i32
    "tpu.region"() ({
      %run_scoped3A_27 = tpu.sem_alloc : memref<!tpu.dma_semaphore, #tpu.memory_space<semaphore_mem>>
      %dma_start3A = arith.constant 0 : i32
      %dma_start3A_28 = tpu.memref_slice %arg9[%add3A_1, %dma_start3A] : memref<10240x128xf32, #tpu.memory_space<vmem_shared>> -> memref<128x128xf32, #tpu.memory_space<vmem_shared>>
      %dma_start3A_29 = arith.constant 0 : i32
      %dma_start3A_30 = tpu.memref_slice %arg9[%add3A_1, %dma_start3A_29] : memref<10240x128xf32, #tpu.memory_space<vmem_shared>> -> memref<128x128xf32, #tpu.memory_space<vmem_shared>>
      tpu.enqueue_dma source(%arg8 : memref<128x128xf32, #tpu.memory_space<vmem>>) target(%dma_start3A_30 : memref<128x128xf32, #tpu.memory_space<vmem_shared>>) target_semaphore(%run_scoped3A_27 : memref<!tpu.dma_semaphore, #tpu.memory_space<semaphore_mem>>)
      %dma_wait3A = arith.constant 0 : i32
      %dma_wait3A_31 = tpu.memref_slice %arg9[%add3A_1, %dma_wait3A] : memref<10240x128xf32, #tpu.memory_space<vmem_shared>> -> memref<128x128xf32, #tpu.memory_space<vmem_shared>>
      %dma_wait3A_32 = arith.constant 0 : i32
      %dma_wait3A_33 = tpu.memref_slice %arg9[%add3A_1, %dma_wait3A_32] : memref<10240x128xf32, #tpu.memory_space<vmem_shared>> -> memref<128x128xf32, #tpu.memory_space<vmem_shared>>
      tpu.wait_dma2 semaphore(%run_scoped3A_27 : memref<!tpu.dma_semaphore, #tpu.memory_space<semaphore_mem>>) src(%arg8 : memref<128x128xf32, #tpu.memory_space<vmem>>) dst(%dma_wait3A_33 : memref<128x128xf32, #tpu.memory_space<vmem_shared>>)
      tpu.yield
    }) : () -> ()
    %add3A_2 = arith.constant 128 : i32
    %add3A_3 = arith.addi %mul3A_0, %add3A_2 : i32
    "tpu.region"() ({
      %run_scoped3A_27 = tpu.sem_alloc : memref<!tpu.dma_semaphore, #tpu.memory_space<semaphore_mem>>
      %dma_start3A = arith.constant 0 : i32
      %dma_start3A_28 = tpu.memref_slice %arg9[%add3A_3, %dma_start3A] : memref<10240x128xf32, #tpu.memory_space<vmem_shared>> -> memref<128x128xf32, #tpu.memory_space<vmem_shared>>
      %dma_start3A_29 = arith.constant 0 : i32
      %dma_start3A_30 = tpu.memref_slice %arg9[%add3A_3, %dma_start3A_29] : memref<10240x128xf32, #tpu.memory_space<vmem_shared>> -> memref<128x128xf32, #tpu.memory_space<vmem_shared>>
      tpu.enqueue_dma source(%arg8 : memref<128x128xf32, #tpu.memory_space<vmem>>) target(%dma_start3A_30 : memref<128x128xf32, #tpu.memory_space<vmem_shared>>) target_semaphore(%run_scoped3A_27 : memref<!tpu.dma_semaphore, #tpu.memory_space<semaphore_mem>>)
      %dma_wait3A = arith.constant 0 : i32
      %dma_wait3A_31 = tpu.memref_slice %arg9[%add3A_3, %dma_wait3A] : memref<10240x128xf32, #tpu.memory_space<vmem_shared>> -> memref<128x128xf32, #tpu.memory_space<vmem_shared>>
      %dma_wait3A_32 = arith.constant 0 : i32
      %dma_wait3A_33 = tpu.memref_slice %arg9[%add3A_3, %dma_wait3A_32] : memref<10240x128xf32, #tpu.memory_space<vmem_shared>> -> memref<128x128xf32, #tpu.memory_space<vmem_shared>>
      tpu.wait_dma2 semaphore(%run_scoped3A_27 : memref<!tpu.dma_semaphore, #tpu.memory_space<semaphore_mem>>) src(%arg8 : memref<128x128xf32, #tpu.memory_space<vmem>>) dst(%dma_wait3A_33 : memref<128x128xf32, #tpu.memory_space<vmem_shared>>)
      tpu.yield
    }) : () -> ()
    %add3A_4 = arith.constant 256 : i32
    %add3A_5 = arith.addi %mul3A_0, %add3A_4 : i32
    "tpu.region"() ({
      %run_scoped3A_27 = tpu.sem_alloc : memref<!tpu.dma_semaphore, #tpu.memory_space<semaphore_mem>>
      %dma_start3A = arith.constant 0 : i32
      %dma_start3A_28 = tpu.memref_slice %arg9[%add3A_5, %dma_start3A] : memref<10240x128xf32, #tpu.memory_space<vmem_shared>> -> memref<128x128xf32, #tpu.memory_space<vmem_shared>>
      %dma_start3A_29 = arith.constant 0 : i32
      %dma_start3A_30 = tpu.memref_slice %arg9[%add3A_5, %dma_start3A_29] : memref<10240x128xf32, #tpu.memory_space<vmem_shared>> -> memref<128x128xf32, #tpu.memory_space<vmem_shared>>
      tpu.enqueue_dma source(%arg8 : memref<128x128xf32, #tpu.memory_space<vmem>>) target(%dma_start3A_30 : memref<128x128xf32, #tpu.memory_space<vmem_shared>>) target_semaphore(%run_scoped3A_27 : memref<!tpu.dma_semaphore, #tpu.memory_space<semaphore_mem>>)
      %dma_wait3A = arith.constant 0 : i32
      %dma_wait3A_31 = tpu.memref_slice %arg9[%add3A_5, %dma_wait3A] : memref<10240x128xf32, #tpu.memory_space<vmem_shared>> -> memref<128x128xf32, #tpu.memory_space<vmem_shared>>
      %dma_wait3A_32 = arith.constant 0 : i32
      %dma_wait3A_33 = tpu.memref_slice %arg9[%add3A_5, %dma_wait3A_32] : memref<10240x128xf32, #tpu.memory_space<vmem_shared>> -> memref<128x128xf32, #tpu.memory_space<vmem_shared>>
      tpu.wait_dma2 semaphore(%run_scoped3A_27 : memref<!tpu.dma_semaphore, #tpu.memory_space<semaphore_mem>>) src(%arg8 : memref<128x128xf32, #tpu.memory_space<vmem>>) dst(%dma_wait3A_33 : memref<128x128xf32, #tpu.memory_space<vmem_shared>>)
      tpu.yield
    }) : () -> ()
    %add3A_6 = arith.constant 384 : i32
    %add3A_7 = arith.addi %mul3A_0, %add3A_6 : i32
    "tpu.region"() ({
      %run_scoped3A_27 = tpu.sem_alloc : memref<!tpu.dma_semaphore, #tpu.memory_space<semaphore_mem>>
      %dma_start3A = arith.constant 0 : i32
      %dma_start3A_28 = tpu.memref_slice %arg9[%add3A_7, %dma_start3A] : memref<10240x128xf32, #tpu.memory_space<vmem_shared>> -> memref<128x128xf32, #tpu.memory_space<vmem_shared>>
      %dma_start3A_29 = arith.constant 0 : i32
      %dma_start3A_30 = tpu.memref_slice %arg9[%add3A_7, %dma_start3A_29] : memref<10240x128xf32, #tpu.memory_space<vmem_shared>> -> memref<128x128xf32, #tpu.memory_space<vmem_shared>>
      tpu.enqueue_dma source(%arg8 : memref<128x128xf32, #tpu.memory_space<vmem>>) target(%dma_start3A_30 : memref<128x128xf32, #tpu.memory_space<vmem_shared>>) target_semaphore(%run_scoped3A_27 : memref<!tpu.dma_semaphore, #tpu.memory_space<semaphore_mem>>)
      %dma_wait3A = arith.constant 0 : i32
      %dma_wait3A_31 = tpu.memref_slice %arg9[%add3A_7, %dma_wait3A] : memref<10240x128xf32, #tpu.memory_space<vmem_shared>> -> memref<128x128xf32, #tpu.memory_space<vmem_shared>>
      %dma_wait3A_32 = arith.constant 0 : i32
      %dma_wait3A_33 = tpu.memref_slice %arg9[%add3A_7, %dma_wait3A_32] : memref<10240x128xf32, #tpu.memory_space<vmem_shared>> -> memref<128x128xf32, #tpu.memory_space<vmem_shared>>
      tpu.wait_dma2 semaphore(%run_scoped3A_27 : memref<!tpu.dma_semaphore, #tpu.memory_space<semaphore_mem>>) src(%arg8 : memref<128x128xf32, #tpu.memory_space<vmem>>) dst(%dma_wait3A_33 : memref<128x128xf32, #tpu.memory_space<vmem_shared>>)
      tpu.yield
    }) : () -> ()
    %add3A_8 = arith.constant 512 : i32
    %add3A_9 = arith.addi %mul3A_0, %add3A_8 : i32
    "tpu.region"() ({
      %run_scoped3A_27 = tpu.sem_alloc : memref<!tpu.dma_semaphore, #tpu.memory_space<semaphore_mem>>
      %dma_start3A = arith.constant 0 : i32
      %dma_start3A_28 = tpu.memref_slice %arg9[%add3A_9, %dma_start3A] : memref<10240x128xf32, #tpu.memory_space<vmem_shared>> -> memref<128x128xf32, #tpu.memory_space<vmem_shared>>
      %dma_start3A_29 = arith.constant 0 : i32
      %dma_start3A_30 = tpu.memref_slice %arg9[%add3A_9, %dma_start3A_29] : memref<10240x128xf32, #tpu.memory_space<vmem_shared>> -> memref<128x128xf32, #tpu.memory_space<vmem_shared>>
      tpu.enqueue_dma source(%arg8 : memref<128x128xf32, #tpu.memory_space<vmem>>) target(%dma_start3A_30 : memref<128x128xf32, #tpu.memory_space<vmem_shared>>) target_semaphore(%run_scoped3A_27 : memref<!tpu.dma_semaphore, #tpu.memory_space<semaphore_mem>>)
      %dma_wait3A = arith.constant 0 : i32
      %dma_wait3A_31 = tpu.memref_slice %arg9[%add3A_9, %dma_wait3A] : memref<10240x128xf32, #tpu.memory_space<vmem_shared>> -> memref<128x128xf32, #tpu.memory_space<vmem_shared>>
      %dma_wait3A_32 = arith.constant 0 : i32
      %dma_wait3A_33 = tpu.memref_slice %arg9[%add3A_9, %dma_wait3A_32] : memref<10240x128xf32, #tpu.memory_space<vmem_shared>> -> memref<128x128xf32, #tpu.memory_space<vmem_shared>>
      tpu.wait_dma2 semaphore(%run_scoped3A_27 : memref<!tpu.dma_semaphore, #tpu.memory_space<semaphore_mem>>) src(%arg8 : memref<128x128xf32, #tpu.memory_space<vmem>>) dst(%dma_wait3A_33 : memref<128x128xf32, #tpu.memory_space<vmem_shared>>)
      tpu.yield
    }) : () -> ()
    %run_scoped3A_10 = arith.constant 0 : i32
    "tpu.region"() ({
      %run_scoped3A_27 = tpu.sem_alloc : memref<!tpu.dma_semaphore, #tpu.memory_space<semaphore_mem>>
      %dma_start3A = arith.constant 0 : i32
      %dma_start3A_28 = arith.constant 0 : i32
      %dma_start3A_29 = tpu.memref_slice %arg4[%run_scoped3A_10, %dma_start3A, %dma_start3A_28] : memref<2x128x128xf32, #tpu.memory_space<hbm>> -> memref<1x128x128xf32, #tpu.memory_space<hbm>>
      %dma_start3A_30 = tpu.memref_squeeze %dma_start3A_29 : memref<1x128x128xf32, #tpu.memory_space<hbm>> -> memref<128x128xf32, #tpu.memory_space<hbm>>
      %dma_start3A_31 = arith.constant 0 : i32
      %dma_start3A_32 = arith.constant 0 : i32
      %dma_start3A_33 = tpu.memref_slice %arg4[%run_scoped3A_10, %dma_start3A_31, %dma_start3A_32] : memref<2x128x128xf32, #tpu.memory_space<hbm>> -> memref<1x128x128xf32, #tpu.memory_space<hbm>>
      %dma_start3A_34 = tpu.memref_squeeze %dma_start3A_33 : memref<1x128x128xf32, #tpu.memory_space<hbm>> -> memref<128x128xf32, #tpu.memory_space<hbm>>
      tpu.enqueue_dma source(%dma_start3A_34 : memref<128x128xf32, #tpu.memory_space<hbm>>) target(%arg8 : memref<128x128xf32, #tpu.memory_space<vmem>>) target_semaphore(%run_scoped3A_27 : memref<!tpu.dma_semaphore, #tpu.memory_space<semaphore_mem>>)
      %dma_wait3A = arith.constant 0 : i32
      %dma_wait3A_35 = arith.constant 0 : i32
      %dma_wait3A_36 = tpu.memref_slice %arg4[%run_scoped3A_10, %dma_wait3A, %dma_wait3A_35] : memref<2x128x128xf32, #tpu.memory_space<hbm>> -> memref<1x128x128xf32, #tpu.memory_space<hbm>>
      %dma_wait3A_37 = tpu.memref_squeeze %dma_wait3A_36 : memref<1x128x128xf32, #tpu.memory_space<hbm>> -> memref<128x128xf32, #tpu.memory_space<hbm>>
      %dma_wait3A_38 = arith.constant 0 : i32
      %dma_wait3A_39 = arith.constant 0 : i32
      %dma_wait3A_40 = tpu.memref_slice %arg4[%run_scoped3A_10, %dma_wait3A_38, %dma_wait3A_39] : memref<2x128x128xf32, #tpu.memory_space<hbm>> -> memref<1x128x128xf32, #tpu.memory_space<hbm>>
      %dma_wait3A_41 = tpu.memref_squeeze %dma_wait3A_40 : memref<1x128x128xf32, #tpu.memory_space<hbm>> -> memref<128x128xf32, #tpu.memory_space<hbm>>
      tpu.wait_dma2 semaphore(%run_scoped3A_27 : memref<!tpu.dma_semaphore, #tpu.memory_space<semaphore_mem>>) src(%dma_wait3A_41 : memref<128x128xf32, #tpu.memory_space<hbm>>) dst(%arg8 : memref<128x128xf32, #tpu.memory_space<vmem>>)
      tpu.yield
    }) : () -> ()
    %barrier3A = arith.constant 0 : index
    tpu.barrier barrier_id(%barrier3A)
    %sub3A = arith.constant 1 : i32
    %sub3A_11 = arith.subi %sub3A, %arg0 : i32
    %scan3A = arith.constant 0 : i32
    %scan3A_12 = arith.constant 157 : i32
    %scan3A_13 = arith.addi %scan3A, %scan3A_12 : i32
    %scan3A_14 = arith.constant 1 : i32
    scf.for %scan3A_27 = %scan3A to %scan3A_13 step %scan3A_14  : i32 {
      %mul3A_28 = arith.constant 16 : i32
      %mul3A_29 = arith.muli %scan3A_27, %mul3A_28 : i32
      %add3A_30 = arith.addi %arg1, %mul3A_29 : i32
      %lt3A = arith.constant 2500 : i32
      %lt3A_31 = arith.cmpi slt, %add3A_30, %lt3A : i32
      %convert_element_type3A = arith.extui %lt3A_31 : i1 to i32
      %cond3A = arith.constant 0 : i32
      %cond3A_32 = arith.cmpi ne, %convert_element_type3A, %cond3A : i32
      scf.if %cond3A_32 {
        %mul3A_33 = arith.constant 128 : i32
        %mul3A_34 = arith.muli %add3A_30, %mul3A_33 : i32
        "tpu.region"() ({
          %run_scoped3A_40 = tpu.sem_alloc : memref<!tpu.dma_semaphore, #tpu.memory_space<semaphore_mem>>
          %dma_start3A = tpu.memref_slice %arg2[%sub3A_11, %mul3A_34] : memref<2x320000xi32, #tpu.memory_space<hbm>> -> memref<1x128xi32, #tpu.memory_space<hbm>>
          %dma_start3A_41 = tpu.memref_squeeze %dma_start3A : memref<1x128xi32, #tpu.memory_space<hbm>> -> memref<128xi32, #tpu.memory_space<hbm>>
          %dma_start3A_42 = tpu.memref_slice %arg2[%sub3A_11, %mul3A_34] : memref<2x320000xi32, #tpu.memory_space<hbm>> -> memref<1x128xi32, #tpu.memory_space<hbm>>
          %dma_start3A_43 = tpu.memref_squeeze %dma_start3A_42 : memref<1x128xi32, #tpu.memory_space<hbm>> -> memref<128xi32, #tpu.memory_space<hbm>>
          tpu.enqueue_dma source(%dma_start3A_43 : memref<128xi32, #tpu.memory_space<hbm>>) target(%arg6 : memref<128xi32, #tpu.memory_space<vmem>>) target_semaphore(%run_scoped3A_40 : memref<!tpu.dma_semaphore, #tpu.memory_space<semaphore_mem>>)
          %dma_wait3A = tpu.memref_slice %arg2[%sub3A_11, %mul3A_34] : memref<2x320000xi32, #tpu.memory_space<hbm>> -> memref<1x128xi32, #tpu.memory_space<hbm>>
          %dma_wait3A_44 = tpu.memref_squeeze %dma_wait3A : memref<1x128xi32, #tpu.memory_space<hbm>> -> memref<128xi32, #tpu.memory_space<hbm>>
          %dma_wait3A_45 = tpu.memref_slice %arg2[%sub3A_11, %mul3A_34] : memref<2x320000xi32, #tpu.memory_space<hbm>> -> memref<1x128xi32, #tpu.memory_space<hbm>>
          %dma_wait3A_46 = tpu.memref_squeeze %dma_wait3A_45 : memref<1x128xi32, #tpu.memory_space<hbm>> -> memref<128xi32, #tpu.memory_space<hbm>>
          tpu.wait_dma2 semaphore(%run_scoped3A_40 : memref<!tpu.dma_semaphore, #tpu.memory_space<semaphore_mem>>) src(%dma_wait3A_46 : memref<128xi32, #tpu.memory_space<hbm>>) dst(%arg6 : memref<128xi32, #tpu.memory_space<vmem>>)
          tpu.yield
        }) : () -> ()
        "tpu.region"() ({
          %run_scoped3A_40 = tpu.sem_alloc : memref<!tpu.dma_semaphore, #tpu.memory_space<semaphore_mem>>
          %dma_start3A = arith.constant 0 : i32
          %dma_start3A_41 = tpu.memref_slice %arg3[%mul3A_34, %dma_start3A] : memref<320000x16xf32, #tpu.memory_space<hbm>> -> memref<128x16xf32, #tpu.memory_space<hbm>>
          %dma_start3A_42 = arith.constant 0 : i32
          %dma_start3A_43 = tpu.memref_slice %arg3[%mul3A_34, %dma_start3A_42] : memref<320000x16xf32, #tpu.memory_space<hbm>> -> memref<128x16xf32, #tpu.memory_space<hbm>>
          tpu.enqueue_dma source(%dma_start3A_43 : memref<128x16xf32, #tpu.memory_space<hbm>>) target(%arg7 : memref<128x16xf32, #tpu.memory_space<vmem>>) target_semaphore(%run_scoped3A_40 : memref<!tpu.dma_semaphore, #tpu.memory_space<semaphore_mem>>)
          %dma_wait3A = arith.constant 0 : i32
          %dma_wait3A_44 = tpu.memref_slice %arg3[%mul3A_34, %dma_wait3A] : memref<320000x16xf32, #tpu.memory_space<hbm>> -> memref<128x16xf32, #tpu.memory_space<hbm>>
          %dma_wait3A_45 = arith.constant 0 : i32
          %dma_wait3A_46 = tpu.memref_slice %arg3[%mul3A_34, %dma_wait3A_45] : memref<320000x16xf32, #tpu.memory_space<hbm>> -> memref<128x16xf32, #tpu.memory_space<hbm>>
          tpu.wait_dma2 semaphore(%run_scoped3A_40 : memref<!tpu.dma_semaphore, #tpu.memory_space<semaphore_mem>>) src(%dma_wait3A_46 : memref<128x16xf32, #tpu.memory_space<hbm>>) dst(%arg7 : memref<128x16xf32, #tpu.memory_space<vmem>>)
          tpu.yield
        }) : () -> ()
        %scan3A_35 = arith.constant 0 : i32
        %scan3A_36 = arith.constant 128 : i32
        %scan3A_37 = arith.addi %scan3A_35, %scan3A_36 : i32
        %scan3A_38 = arith.constant 1 : i32
        scf.for %scan3A_40 = %scan3A_35 to %scan3A_37 step %scan3A_38  : i32 {
          %get3A = arith.index_cast %scan3A_40 : i32 to index
          %get3A_41 = arith.constant 0 : index
          %get3A_42 = tpu.vector_load %arg7[%get3A, %get3A_41] {strides = array<i32>} : memref<128x16xf32, #tpu.memory_space<vmem>>, vector<1x16xf32>,
          %get3A_43 = vector.shape_cast %get3A_42 : vector<1x16xf32> to vector<16xf32>
          %swap3A = arith.index_cast %scan3A_40 : i32 to index
          %swap3A_44 = arith.constant 0 : index
          %swap3A_45 = tpu.vector_load %arg8[%swap3A, %swap3A_44] {strides = array<i32>} : memref<128x128xf32, #tpu.memory_space<vmem>>, vector<1x16xf32>,
          %swap3A_46 = vector.shape_cast %swap3A_45 : vector<1x16xf32> to vector<16xf32>
          %swap3A_47 = vector.shape_cast %get3A_43 : vector<16xf32> to vector<1x16xf32>
          tpu.vector_store %arg8[%swap3A, %swap3A_44], %swap3A_47 {strides = array<i32>} : memref<128x128xf32, #tpu.memory_space<vmem>>, vector<1x16xf32>,
        }
        %scan3A_39 = arith.constant 128 : i32
        "tpu.region"() ({
          %run_scoped3A_40 = tpu.sem_alloc : memref<!tpu.dma_semaphore, #tpu.memory_space<semaphore_mem>>
          %dma_start3A = arith.constant 0 : i32
          %dma_start3A_41 = arith.constant 0 : i32
          %dma_start3A_42 = tpu.memref_slice %arg9[%dma_start3A, %dma_start3A_41] : memref<10240x128xf32, #tpu.memory_space<vmem_shared>> -> memref<10240x128xf32, #tpu.memory_space<vmem_shared>>
          tpu.enqueue_indirect_dma source(%arg8 : memref<128x128xf32, #tpu.memory_space<vmem>>) target(%dma_start3A_42 : memref<10240x128xf32, #tpu.memory_space<vmem_shared>>) offsets(%arg6 : memref<128xi32, #tpu.memory_space<vmem>>) semaphore(%run_scoped3A_40 : memref<!tpu.dma_semaphore, #tpu.memory_space<semaphore_mem>>) {add = true}
          %dma_wait3A = arith.constant 0 : i32
          %dma_wait3A_43 = arith.constant 0 : i32
          %dma_wait3A_44 = tpu.memref_slice %arg9[%dma_wait3A, %dma_wait3A_43] : memref<10240x128xf32, #tpu.memory_space<vmem_shared>> -> memref<10240x128xf32, #tpu.memory_space<vmem_shared>>
          tpu.wait_indirect_dma semaphore(%run_scoped3A_40 : memref<!tpu.dma_semaphore, #tpu.memory_space<semaphore_mem>>) src(%arg8 : memref<128x128xf32, #tpu.memory_space<vmem>>) dst(%dma_wait3A_44 : memref<10240x128xf32, #tpu.memory_space<vmem_shared>>)
          tpu.yield
        }) : () -> ()
      } else {
      }
    }
    %scan3A_15 = arith.constant 157 : i32
    %barrier3A_16 = arith.constant 0 : index
    tpu.barrier barrier_id(%barrier3A_16)
    %add3A_17 = arith.constant 0 : i32
    %add3A_18 = arith.addi %mul3A_0, %add3A_17 : i32
    "tpu.region"() ({
      %run_scoped3A_27 = tpu.sem_alloc : memref<!tpu.dma_semaphore, #tpu.memory_space<semaphore_mem>>
      %dma_start3A = arith.constant 0 : i32
      %dma_start3A_28 = tpu.memref_slice %arg9[%add3A_18, %dma_start3A] : memref<10240x128xf32, #tpu.memory_space<vmem_shared>> -> memref<128x128xf32, #tpu.memory_space<vmem_shared>>
      %dma_start3A_29 = arith.constant 0 : i32
      %dma_start3A_30 = tpu.memref_slice %arg9[%add3A_18, %dma_start3A_29] : memref<10240x128xf32, #tpu.memory_space<vmem_shared>> -> memref<128x128xf32, #tpu.memory_space<vmem_shared>>
      tpu.enqueue_dma source(%dma_start3A_30 : memref<128x128xf32, #tpu.memory_space<vmem_shared>>) target(%arg8 : memref<128x128xf32, #tpu.memory_space<vmem>>) target_semaphore(%run_scoped3A_27 : memref<!tpu.dma_semaphore, #tpu.memory_space<semaphore_mem>>)
      %dma_wait3A = arith.constant 0 : i32
      %dma_wait3A_31 = tpu.memref_slice %arg9[%add3A_18, %dma_wait3A] : memref<10240x128xf32, #tpu.memory_space<vmem_shared>> -> memref<128x128xf32, #tpu.memory_space<vmem_shared>>
      %dma_wait3A_32 = arith.constant 0 : i32
      %dma_wait3A_33 = tpu.memref_slice %arg9[%add3A_18, %dma_wait3A_32] : memref<10240x128xf32, #tpu.memory_space<vmem_shared>> -> memref<128x128xf32, #tpu.memory_space<vmem_shared>>
      tpu.wait_dma2 semaphore(%run_scoped3A_27 : memref<!tpu.dma_semaphore, #tpu.memory_space<semaphore_mem>>) src(%dma_wait3A_33 : memref<128x128xf32, #tpu.memory_space<vmem_shared>>) dst(%arg8 : memref<128x128xf32, #tpu.memory_space<vmem>>)
      tpu.yield
    }) : () -> ()
    "tpu.region"() ({
      %run_scoped3A_27 = tpu.sem_alloc : memref<!tpu.dma_semaphore, #tpu.memory_space<semaphore_mem>>
      %dma_start3A = arith.constant 0 : i32
      %dma_start3A_28 = tpu.memref_slice %arg5[%arg0, %add3A_18, %dma_start3A] : memref<2x10240x128xf32, #tpu.memory_space<hbm>> -> memref<1x128x128xf32, #tpu.memory_space<hbm>>
      %dma_start3A_29 = tpu.memref_squeeze %dma_start3A_28 : memref<1x128x128xf32, #tpu.memory_space<hbm>> -> memref<128x128xf32, #tpu.memory_space<hbm>>
      %dma_start3A_30 = arith.constant 0 : i32
      %dma_start3A_31 = tpu.memref_slice %arg5[%arg0, %add3A_18, %dma_start3A_30] : memref<2x10240x128xf32, #tpu.memory_space<hbm>> -> memref<1x128x128xf32, #tpu.memory_space<hbm>>
      %dma_start3A_32 = tpu.memref_squeeze %dma_start3A_31 : memref<1x128x128xf32, #tpu.memory_space<hbm>> -> memref<128x128xf32, #tpu.memory_space<hbm>>
      tpu.enqueue_dma source(%arg8 : memref<128x128xf32, #tpu.memory_space<vmem>>) target(%dma_start3A_32 : memref<128x128xf32, #tpu.memory_space<hbm>>) target_semaphore(%run_scoped3A_27 : memref<!tpu.dma_semaphore, #tpu.memory_space<semaphore_mem>>)
      %dma_wait3A = arith.constant 0 : i32
      %dma_wait3A_33 = tpu.memref_slice %arg5[%arg0, %add3A_18, %dma_wait3A] : memref<2x10240x128xf32, #tpu.memory_space<hbm>> -> memref<1x128x128xf32, #tpu.memory_space<hbm>>
      %dma_wait3A_34 = tpu.memref_squeeze %dma_wait3A_33 : memref<1x128x128xf32, #tpu.memory_space<hbm>> -> memref<128x128xf32, #tpu.memory_space<hbm>>
      %dma_wait3A_35 = arith.constant 0 : i32
      %dma_wait3A_36 = tpu.memref_slice %arg5[%arg0, %add3A_18, %dma_wait3A_35] : memref<2x10240x128xf32, #tpu.memory_space<hbm>> -> memref<1x128x128xf32, #tpu.memory_space<hbm>>
      %dma_wait3A_37 = tpu.memref_squeeze %dma_wait3A_36 : memref<1x128x128xf32, #tpu.memory_space<hbm>> -> memref<128x128xf32, #tpu.memory_space<hbm>>
      tpu.wait_dma2 semaphore(%run_scoped3A_27 : memref<!tpu.dma_semaphore, #tpu.memory_space<semaphore_mem>>) src(%arg8 : memref<128x128xf32, #tpu.memory_space<vmem>>) dst(%dma_wait3A_37 : memref<128x128xf32, #tpu.memory_space<hbm>>)
      tpu.yield
    }) : () -> ()
    %add3A_19 = arith.constant 128 : i32
    %add3A_20 = arith.addi %mul3A_0, %add3A_19 : i32
    "tpu.region"() ({
      %run_scoped3A_27 = tpu.sem_alloc : memref<!tpu.dma_semaphore, #tpu.memory_space<semaphore_mem>>
      %dma_start3A = arith.constant 0 : i32
      %dma_start3A_28 = tpu.memref_slice %arg9[%add3A_20, %dma_start3A] : memref<10240x128xf32, #tpu.memory_space<vmem_shared>> -> memref<128x128xf32, #tpu.memory_space<vmem_shared>>
      %dma_start3A_29 = arith.constant 0 : i32
      %dma_start3A_30 = tpu.memref_slice %arg9[%add3A_20, %dma_start3A_29] : memref<10240x128xf32, #tpu.memory_space<vmem_shared>> -> memref<128x128xf32, #tpu.memory_space<vmem_shared>>
      tpu.enqueue_dma source(%dma_start3A_30 : memref<128x128xf32, #tpu.memory_space<vmem_shared>>) target(%arg8 : memref<128x128xf32, #tpu.memory_space<vmem>>) target_semaphore(%run_scoped3A_27 : memref<!tpu.dma_semaphore, #tpu.memory_space<semaphore_mem>>)
      %dma_wait3A = arith.constant 0 : i32
      %dma_wait3A_31 = tpu.memref_slice %arg9[%add3A_20, %dma_wait3A] : memref<10240x128xf32, #tpu.memory_space<vmem_shared>> -> memref<128x128xf32, #tpu.memory_space<vmem_shared>>
      %dma_wait3A_32 = arith.constant 0 : i32
      %dma_wait3A_33 = tpu.memref_slice %arg9[%add3A_20, %dma_wait3A_32] : memref<10240x128xf32, #tpu.memory_space<vmem_shared>> -> memref<128x128xf32, #tpu.memory_space<vmem_shared>>
      tpu.wait_dma2 semaphore(%run_scoped3A_27 : memref<!tpu.dma_semaphore, #tpu.memory_space<semaphore_mem>>) src(%dma_wait3A_33 : memref<128x128xf32, #tpu.memory_space<vmem_shared>>) dst(%arg8 : memref<128x128xf32, #tpu.memory_space<vmem>>)
      tpu.yield
    }) : () -> ()
    "tpu.region"() ({
      %run_scoped3A_27 = tpu.sem_alloc : memref<!tpu.dma_semaphore, #tpu.memory_space<semaphore_mem>>
      %dma_start3A = arith.constant 0 : i32
      %dma_start3A_28 = tpu.memref_slice %arg5[%arg0, %add3A_20, %dma_start3A] : memref<2x10240x128xf32, #tpu.memory_space<hbm>> -> memref<1x128x128xf32, #tpu.memory_space<hbm>>
      %dma_start3A_29 = tpu.memref_squeeze %dma_start3A_28 : memref<1x128x128xf32, #tpu.memory_space<hbm>> -> memref<128x128xf32, #tpu.memory_space<hbm>>
      %dma_start3A_30 = arith.constant 0 : i32
      %dma_start3A_31 = tpu.memref_slice %arg5[%arg0, %add3A_20, %dma_start3A_30] : memref<2x10240x128xf32, #tpu.memory_space<hbm>> -> memref<1x128x128xf32, #tpu.memory_space<hbm>>
      %dma_start3A_32 = tpu.memref_squeeze %dma_start3A_31 : memref<1x128x128xf32, #tpu.memory_space<hbm>> -> memref<128x128xf32, #tpu.memory_space<hbm>>
      tpu.enqueue_dma source(%arg8 : memref<128x128xf32, #tpu.memory_space<vmem>>) target(%dma_start3A_32 : memref<128x128xf32, #tpu.memory_space<hbm>>) target_semaphore(%run_scoped3A_27 : memref<!tpu.dma_semaphore, #tpu.memory_space<semaphore_mem>>)
      %dma_wait3A = arith.constant 0 : i32
      %dma_wait3A_33 = tpu.memref_slice %arg5[%arg0, %add3A_20, %dma_wait3A] : memref<2x10240x128xf32, #tpu.memory_space<hbm>> -> memref<1x128x128xf32, #tpu.memory_space<hbm>>
      %dma_wait3A_34 = tpu.memref_squeeze %dma_wait3A_33 : memref<1x128x128xf32, #tpu.memory_space<hbm>> -> memref<128x128xf32, #tpu.memory_space<hbm>>
      %dma_wait3A_35 = arith.constant 0 : i32
      %dma_wait3A_36 = tpu.memref_slice %arg5[%arg0, %add3A_20, %dma_wait3A_35] : memref<2x10240x128xf32, #tpu.memory_space<hbm>> -> memref<1x128x128xf32, #tpu.memory_space<hbm>>
      %dma_wait3A_37 = tpu.memref_squeeze %dma_wait3A_36 : memref<1x128x128xf32, #tpu.memory_space<hbm>> -> memref<128x128xf32, #tpu.memory_space<hbm>>
      tpu.wait_dma2 semaphore(%run_scoped3A_27 : memref<!tpu.dma_semaphore, #tpu.memory_space<semaphore_mem>>) src(%arg8 : memref<128x128xf32, #tpu.memory_space<vmem>>) dst(%dma_wait3A_37 : memref<128x128xf32, #tpu.memory_space<hbm>>)
      tpu.yield
    }) : () -> ()
    %add3A_21 = arith.constant 256 : i32
    %add3A_22 = arith.addi %mul3A_0, %add3A_21 : i32
    "tpu.region"() ({
      %run_scoped3A_27 = tpu.sem_alloc : memref<!tpu.dma_semaphore, #tpu.memory_space<semaphore_mem>>
      %dma_start3A = arith.constant 0 : i32
      %dma_start3A_28 = tpu.memref_slice %arg9[%add3A_22, %dma_start3A] : memref<10240x128xf32, #tpu.memory_space<vmem_shared>> -> memref<128x128xf32, #tpu.memory_space<vmem_shared>>
      %dma_start3A_29 = arith.constant 0 : i32
      %dma_start3A_30 = tpu.memref_slice %arg9[%add3A_22, %dma_start3A_29] : memref<10240x128xf32, #tpu.memory_space<vmem_shared>> -> memref<128x128xf32, #tpu.memory_space<vmem_shared>>
      tpu.enqueue_dma source(%dma_start3A_30 : memref<128x128xf32, #tpu.memory_space<vmem_shared>>) target(%arg8 : memref<128x128xf32, #tpu.memory_space<vmem>>) target_semaphore(%run_scoped3A_27 : memref<!tpu.dma_semaphore, #tpu.memory_space<semaphore_mem>>)
      %dma_wait3A = arith.constant 0 : i32
      %dma_wait3A_31 = tpu.memref_slice %arg9[%add3A_22, %dma_wait3A] : memref<10240x128xf32, #tpu.memory_space<vmem_shared>> -> memref<128x128xf32, #tpu.memory_space<vmem_shared>>
      %dma_wait3A_32 = arith.constant 0 : i32
      %dma_wait3A_33 = tpu.memref_slice %arg9[%add3A_22, %dma_wait3A_32] : memref<10240x128xf32, #tpu.memory_space<vmem_shared>> -> memref<128x128xf32, #tpu.memory_space<vmem_shared>>
      tpu.wait_dma2 semaphore(%run_scoped3A_27 : memref<!tpu.dma_semaphore, #tpu.memory_space<semaphore_mem>>) src(%dma_wait3A_33 : memref<128x128xf32, #tpu.memory_space<vmem_shared>>) dst(%arg8 : memref<128x128xf32, #tpu.memory_space<vmem>>)
      tpu.yield
    }) : () -> ()
    "tpu.region"() ({
      %run_scoped3A_27 = tpu.sem_alloc : memref<!tpu.dma_semaphore, #tpu.memory_space<semaphore_mem>>
      %dma_start3A = arith.constant 0 : i32
      %dma_start3A_28 = tpu.memref_slice %arg5[%arg0, %add3A_22, %dma_start3A] : memref<2x10240x128xf32, #tpu.memory_space<hbm>> -> memref<1x128x128xf32, #tpu.memory_space<hbm>>
      %dma_start3A_29 = tpu.memref_squeeze %dma_start3A_28 : memref<1x128x128xf32, #tpu.memory_space<hbm>> -> memref<128x128xf32, #tpu.memory_space<hbm>>
      %dma_start3A_30 = arith.constant 0 : i32
      %dma_start3A_31 = tpu.memref_slice %arg5[%arg0, %add3A_22, %dma_start3A_30] : memref<2x10240x128xf32, #tpu.memory_space<hbm>> -> memref<1x128x128xf32, #tpu.memory_space<hbm>>
      %dma_start3A_32 = tpu.memref_squeeze %dma_start3A_31 : memref<1x128x128xf32, #tpu.memory_space<hbm>> -> memref<128x128xf32, #tpu.memory_space<hbm>>
      tpu.enqueue_dma source(%arg8 : memref<128x128xf32, #tpu.memory_space<vmem>>) target(%dma_start3A_32 : memref<128x128xf32, #tpu.memory_space<hbm>>) target_semaphore(%run_scoped3A_27 : memref<!tpu.dma_semaphore, #tpu.memory_space<semaphore_mem>>)
      %dma_wait3A = arith.constant 0 : i32
      %dma_wait3A_33 = tpu.memref_slice %arg5[%arg0, %add3A_22, %dma_wait3A] : memref<2x10240x128xf32, #tpu.memory_space<hbm>> -> memref<1x128x128xf32, #tpu.memory_space<hbm>>
      %dma_wait3A_34 = tpu.memref_squeeze %dma_wait3A_33 : memref<1x128x128xf32, #tpu.memory_space<hbm>> -> memref<128x128xf32, #tpu.memory_space<hbm>>
      %dma_wait3A_35 = arith.constant 0 : i32
      %dma_wait3A_36 = tpu.memref_slice %arg5[%arg0, %add3A_22, %dma_wait3A_35] : memref<2x10240x128xf32, #tpu.memory_space<hbm>> -> memref<1x128x128xf32, #tpu.memory_space<hbm>>
      %dma_wait3A_37 = tpu.memref_squeeze %dma_wait3A_36 : memref<1x128x128xf32, #tpu.memory_space<hbm>> -> memref<128x128xf32, #tpu.memory_space<hbm>>
      tpu.wait_dma2 semaphore(%run_scoped3A_27 : memref<!tpu.dma_semaphore, #tpu.memory_space<semaphore_mem>>) src(%arg8 : memref<128x128xf32, #tpu.memory_space<vmem>>) dst(%dma_wait3A_37 : memref<128x128xf32, #tpu.memory_space<hbm>>)
      tpu.yield
    }) : () -> ()
    %add3A_23 = arith.constant 384 : i32
    %add3A_24 = arith.addi %mul3A_0, %add3A_23 : i32
    "tpu.region"() ({
      %run_scoped3A_27 = tpu.sem_alloc : memref<!tpu.dma_semaphore, #tpu.memory_space<semaphore_mem>>
      %dma_start3A = arith.constant 0 : i32
      %dma_start3A_28 = tpu.memref_slice %arg9[%add3A_24, %dma_start3A] : memref<10240x128xf32, #tpu.memory_space<vmem_shared>> -> memref<128x128xf32, #tpu.memory_space<vmem_shared>>
      %dma_start3A_29 = arith.constant 0 : i32
      %dma_start3A_30 = tpu.memref_slice %arg9[%add3A_24, %dma_start3A_29] : memref<10240x128xf32, #tpu.memory_space<vmem_shared>> -> memref<128x128xf32, #tpu.memory_space<vmem_shared>>
      tpu.enqueue_dma source(%dma_start3A_30 : memref<128x128xf32, #tpu.memory_space<vmem_shared>>) target(%arg8 : memref<128x128xf32, #tpu.memory_space<vmem>>) target_semaphore(%run_scoped3A_27 : memref<!tpu.dma_semaphore, #tpu.memory_space<semaphore_mem>>)
      %dma_wait3A = arith.constant 0 : i32
      %dma_wait3A_31 = tpu.memref_slice %arg9[%add3A_24, %dma_wait3A] : memref<10240x128xf32, #tpu.memory_space<vmem_shared>> -> memref<128x128xf32, #tpu.memory_space<vmem_shared>>
      %dma_wait3A_32 = arith.constant 0 : i32
      %dma_wait3A_33 = tpu.memref_slice %arg9[%add3A_24, %dma_wait3A_32] : memref<10240x128xf32, #tpu.memory_space<vmem_shared>> -> memref<128x128xf32, #tpu.memory_space<vmem_shared>>
      tpu.wait_dma2 semaphore(%run_scoped3A_27 : memref<!tpu.dma_semaphore, #tpu.memory_space<semaphore_mem>>) src(%dma_wait3A_33 : memref<128x128xf32, #tpu.memory_space<vmem_shared>>) dst(%arg8 : memref<128x128xf32, #tpu.memory_space<vmem>>)
      tpu.yield
    }) : () -> ()
    "tpu.region"() ({
      %run_scoped3A_27 = tpu.sem_alloc : memref<!tpu.dma_semaphore, #tpu.memory_space<semaphore_mem>>
      %dma_start3A = arith.constant 0 : i32
      %dma_start3A_28 = tpu.memref_slice %arg5[%arg0, %add3A_24, %dma_start3A] : memref<2x10240x128xf32, #tpu.memory_space<hbm>> -> memref<1x128x128xf32, #tpu.memory_space<hbm>>
      %dma_start3A_29 = tpu.memref_squeeze %dma_start3A_28 : memref<1x128x128xf32, #tpu.memory_space<hbm>> -> memref<128x128xf32, #tpu.memory_space<hbm>>
      %dma_start3A_30 = arith.constant 0 : i32
      %dma_start3A_31 = tpu.memref_slice %arg5[%arg0, %add3A_24, %dma_start3A_30] : memref<2x10240x128xf32, #tpu.memory_space<hbm>> -> memref<1x128x128xf32, #tpu.memory_space<hbm>>
      %dma_start3A_32 = tpu.memref_squeeze %dma_start3A_31 : memref<1x128x128xf32, #tpu.memory_space<hbm>> -> memref<128x128xf32, #tpu.memory_space<hbm>>
      tpu.enqueue_dma source(%arg8 : memref<128x128xf32, #tpu.memory_space<vmem>>) target(%dma_start3A_32 : memref<128x128xf32, #tpu.memory_space<hbm>>) target_semaphore(%run_scoped3A_27 : memref<!tpu.dma_semaphore, #tpu.memory_space<semaphore_mem>>)
      %dma_wait3A = arith.constant 0 : i32
      %dma_wait3A_33 = tpu.memref_slice %arg5[%arg0, %add3A_24, %dma_wait3A] : memref<2x10240x128xf32, #tpu.memory_space<hbm>> -> memref<1x128x128xf32, #tpu.memory_space<hbm>>
      %dma_wait3A_34 = tpu.memref_squeeze %dma_wait3A_33 : memref<1x128x128xf32, #tpu.memory_space<hbm>> -> memref<128x128xf32, #tpu.memory_space<hbm>>
      %dma_wait3A_35 = arith.constant 0 : i32
      %dma_wait3A_36 = tpu.memref_slice %arg5[%arg0, %add3A_24, %dma_wait3A_35] : memref<2x10240x128xf32, #tpu.memory_space<hbm>> -> memref<1x128x128xf32, #tpu.memory_space<hbm>>
      %dma_wait3A_37 = tpu.memref_squeeze %dma_wait3A_36 : memref<1x128x128xf32, #tpu.memory_space<hbm>> -> memref<128x128xf32, #tpu.memory_space<hbm>>
      tpu.wait_dma2 semaphore(%run_scoped3A_27 : memref<!tpu.dma_semaphore, #tpu.memory_space<semaphore_mem>>) src(%arg8 : memref<128x128xf32, #tpu.memory_space<vmem>>) dst(%dma_wait3A_37 : memref<128x128xf32, #tpu.memory_space<hbm>>)
      tpu.yield
    }) : () -> ()
    %add3A_25 = arith.constant 512 : i32
    %add3A_26 = arith.addi %mul3A_0, %add3A_25 : i32
    "tpu.region"() ({
      %run_scoped3A_27 = tpu.sem_alloc : memref<!tpu.dma_semaphore, #tpu.memory_space<semaphore_mem>>
      %dma_start3A = arith.constant 0 : i32
      %dma_start3A_28 = tpu.memref_slice %arg9[%add3A_26, %dma_start3A] : memref<10240x128xf32, #tpu.memory_space<vmem_shared>> -> memref<128x128xf32, #tpu.memory_space<vmem_shared>>
      %dma_start3A_29 = arith.constant 0 : i32
      %dma_start3A_30 = tpu.memref_slice %arg9[%add3A_26, %dma_start3A_29] : memref<10240x128xf32, #tpu.memory_space<vmem_shared>> -> memref<128x128xf32, #tpu.memory_space<vmem_shared>>
      tpu.enqueue_dma source(%dma_start3A_30 : memref<128x128xf32, #tpu.memory_space<vmem_shared>>) target(%arg8 : memref<128x128xf32, #tpu.memory_space<vmem>>) target_semaphore(%run_scoped3A_27 : memref<!tpu.dma_semaphore, #tpu.memory_space<semaphore_mem>>)
      %dma_wait3A = arith.constant 0 : i32
      %dma_wait3A_31 = tpu.memref_slice %arg9[%add3A_26, %dma_wait3A] : memref<10240x128xf32, #tpu.memory_space<vmem_shared>> -> memref<128x128xf32, #tpu.memory_space<vmem_shared>>
      %dma_wait3A_32 = arith.constant 0 : i32
      %dma_wait3A_33 = tpu.memref_slice %arg9[%add3A_26, %dma_wait3A_32] : memref<10240x128xf32, #tpu.memory_space<vmem_shared>> -> memref<128x128xf32, #tpu.memory_space<vmem_shared>>
      tpu.wait_dma2 semaphore(%run_scoped3A_27 : memref<!tpu.dma_semaphore, #tpu.memory_space<semaphore_mem>>) src(%dma_wait3A_33 : memref<128x128xf32, #tpu.memory_space<vmem_shared>>) dst(%arg8 : memref<128x128xf32, #tpu.memory_space<vmem>>)
      tpu.yield
    }) : () -> ()
    "tpu.region"() ({
      %run_scoped3A_27 = tpu.sem_alloc : memref<!tpu.dma_semaphore, #tpu.memory_space<semaphore_mem>>
      %dma_start3A = arith.constant 0 : i32
      %dma_start3A_28 = tpu.memref_slice %arg5[%arg0, %add3A_26, %dma_start3A] : memref<2x10240x128xf32, #tpu.memory_space<hbm>> -> memref<1x128x128xf32, #tpu.memory_space<hbm>>
      %dma_start3A_29 = tpu.memref_squeeze %dma_start3A_28 : memref<1x128x128xf32, #tpu.memory_space<hbm>> -> memref<128x128xf32, #tpu.memory_space<hbm>>
      %dma_start3A_30 = arith.constant 0 : i32
      %dma_start3A_31 = tpu.memref_slice %arg5[%arg0, %add3A_26, %dma_start3A_30] : memref<2x10240x128xf32, #tpu.memory_space<hbm>> -> memref<1x128x128xf32, #tpu.memory_space<hbm>>
      %dma_start3A_32 = tpu.memref_squeeze %dma_start3A_31 : memref<1x128x128xf32, #tpu.memory_space<hbm>> -> memref<128x128xf32, #tpu.memory_space<hbm>>
      tpu.enqueue_dma source(%arg8 : memref<128x128xf32, #tpu.memory_space<vmem>>) target(%dma_start3A_32 : memref<128x128xf32, #tpu.memory_space<hbm>>) target_semaphore(%run_scoped3A_27 : memref<!tpu.dma_semaphore, #tpu.memory_space<semaphore_mem>>)
      %dma_wait3A = arith.constant 0 : i32
      %dma_wait3A_33 = tpu.memref_slice %arg5[%arg0, %add3A_26, %dma_wait3A] : memref<2x10240x128xf32, #tpu.memory_space<hbm>> -> memref<1x128x128xf32, #tpu.memory_space<hbm>>
      %dma_wait3A_34 = tpu.memref_squeeze %dma_wait3A_33 : memref<1x128x128xf32, #tpu.memory_space<hbm>> -> memref<128x128xf32, #tpu.memory_space<hbm>>
      %dma_wait3A_35 = arith.constant 0 : i32
      %dma_wait3A_36 = tpu.memref_slice %arg5[%arg0, %add3A_26, %dma_wait3A_35] : memref<2x10240x128xf32, #tpu.memory_space<hbm>> -> memref<1x128x128xf32, #tpu.memory_space<hbm>>
      %dma_wait3A_37 = tpu.memref_squeeze %dma_wait3A_36 : memref<1x128x128xf32, #tpu.memory_space<hbm>> -> memref<128x128xf32, #tpu.memory_space<hbm>>
      tpu.wait_dma2 semaphore(%run_scoped3A_27 : memref<!tpu.dma_semaphore, #tpu.memory_space<semaphore_mem>>) src(%arg8 : memref<128x128xf32, #tpu.memory_space<vmem>>) dst(%dma_wait3A_37 : memref<128x128xf32, #tpu.memory_space<hbm>>)
      tpu.yield
    }) : () -> ()
    return
  }
}

#map = affine_map<(d0, d1) -> (0, 0)>
#map1 = affine_map<(d0, d1) -> (0)>
#map2 = affine_map<(d0, d1) -> (0, 0, 0)>
module attributes {stable_mosaic.version = 14 : i64} {
  func.func @k(%arg0: i32, %arg1: i32, %arg2: memref<10000x128xf32, #tpu.memory_space<hbm>>, %arg3: memref<320000xi32, #tpu.memory_space<hbm>>, %arg4: memref<320000xi32, #tpu.memory_space<hbm>>, %arg5: memref<128x128xf32, #tpu.memory_space<hbm>>, %arg6: memref<2x10240x128xf32, #tpu.memory_space<hbm>>, %arg7: memref<128xi32, #tpu.memory_space<vmem>>, %arg8: memref<128xi32, #tpu.memory_space<vmem>>, %arg9: memref<128x128xf32, #tpu.memory_space<vmem>>, %arg10: memref<10240x128xf32, #tpu.memory_space<vmem_shared>>, %arg11: memref<!tpu.dma_semaphore, #tpu.memory_space<semaphore_mem>>) attributes {dimension_semantics = [#tpu.dimension_semantics<core_parallel>, #tpu.dimension_semantics<subcore_parallel>], iteration_bounds = array<i64: 2, 16>, scalar_prefetch = 0 : i64, scratch_operands = 5 : i64, tpu.core_type = #tpu.core_type<sc_vector_subcore>, window_params = [{transform_indices = #map}, {transform_indices = #map1}, {transform_indices = #map1}, {transform_indices = #map}, {transform_indices = #map2}]} {
    %mul3A = arith.constant 640 : i32
    %mul3A_0 = arith.muli %arg1, %mul3A : i32
    "tpu.region"() ({
      %run_scoped3A = tpu.sem_alloc : memref<!tpu.dma_semaphore, #tpu.memory_space<semaphore_mem>>
      tpu.enqueue_dma source(%arg5 : memref<128x128xf32, #tpu.memory_space<hbm>>) target(%arg9 : memref<128x128xf32, #tpu.memory_space<vmem>>) target_semaphore(%run_scoped3A : memref<!tpu.dma_semaphore, #tpu.memory_space<semaphore_mem>>)
      tpu.wait_dma2 semaphore(%run_scoped3A : memref<!tpu.dma_semaphore, #tpu.memory_space<semaphore_mem>>) src(%arg5 : memref<128x128xf32, #tpu.memory_space<hbm>>) dst(%arg9 : memref<128x128xf32, #tpu.memory_space<vmem>>)
      tpu.yield
    }) : () -> ()
    %add3A = arith.constant 0 : i32
    %add3A_1 = arith.addi %mul3A_0, %add3A : i32
    "tpu.region"() ({
      %run_scoped3A = tpu.sem_alloc : memref<!tpu.dma_semaphore, #tpu.memory_space<semaphore_mem>>
      %dma_start3A = arith.constant 0 : i32
      %dma_start3A_27 = tpu.memref_slice %arg10[%add3A_1, %dma_start3A] : memref<10240x128xf32, #tpu.memory_space<vmem_shared>> -> memref<128x128xf32, #tpu.memory_space<vmem_shared>>
      %dma_start3A_28 = arith.constant 0 : i32
      %dma_start3A_29 = tpu.memref_slice %arg10[%add3A_1, %dma_start3A_28] : memref<10240x128xf32, #tpu.memory_space<vmem_shared>> -> memref<128x128xf32, #tpu.memory_space<vmem_shared>>
      tpu.enqueue_dma source(%arg9 : memref<128x128xf32, #tpu.memory_space<vmem>>) target(%dma_start3A_29 : memref<128x128xf32, #tpu.memory_space<vmem_shared>>) target_semaphore(%run_scoped3A : memref<!tpu.dma_semaphore, #tpu.memory_space<semaphore_mem>>)
      %dma_wait3A = arith.constant 0 : i32
      %dma_wait3A_30 = tpu.memref_slice %arg10[%add3A_1, %dma_wait3A] : memref<10240x128xf32, #tpu.memory_space<vmem_shared>> -> memref<128x128xf32, #tpu.memory_space<vmem_shared>>
      %dma_wait3A_31 = arith.constant 0 : i32
      %dma_wait3A_32 = tpu.memref_slice %arg10[%add3A_1, %dma_wait3A_31] : memref<10240x128xf32, #tpu.memory_space<vmem_shared>> -> memref<128x128xf32, #tpu.memory_space<vmem_shared>>
      tpu.wait_dma2 semaphore(%run_scoped3A : memref<!tpu.dma_semaphore, #tpu.memory_space<semaphore_mem>>) src(%arg9 : memref<128x128xf32, #tpu.memory_space<vmem>>) dst(%dma_wait3A_32 : memref<128x128xf32, #tpu.memory_space<vmem_shared>>)
      tpu.yield
    }) : () -> ()
    %add3A_2 = arith.constant 128 : i32
    %add3A_3 = arith.addi %mul3A_0, %add3A_2 : i32
    "tpu.region"() ({
      %run_scoped3A = tpu.sem_alloc : memref<!tpu.dma_semaphore, #tpu.memory_space<semaphore_mem>>
      %dma_start3A = arith.constant 0 : i32
      %dma_start3A_27 = tpu.memref_slice %arg10[%add3A_3, %dma_start3A] : memref<10240x128xf32, #tpu.memory_space<vmem_shared>> -> memref<128x128xf32, #tpu.memory_space<vmem_shared>>
      %dma_start3A_28 = arith.constant 0 : i32
      %dma_start3A_29 = tpu.memref_slice %arg10[%add3A_3, %dma_start3A_28] : memref<10240x128xf32, #tpu.memory_space<vmem_shared>> -> memref<128x128xf32, #tpu.memory_space<vmem_shared>>
      tpu.enqueue_dma source(%arg9 : memref<128x128xf32, #tpu.memory_space<vmem>>) target(%dma_start3A_29 : memref<128x128xf32, #tpu.memory_space<vmem_shared>>) target_semaphore(%run_scoped3A : memref<!tpu.dma_semaphore, #tpu.memory_space<semaphore_mem>>)
      %dma_wait3A = arith.constant 0 : i32
      %dma_wait3A_30 = tpu.memref_slice %arg10[%add3A_3, %dma_wait3A] : memref<10240x128xf32, #tpu.memory_space<vmem_shared>> -> memref<128x128xf32, #tpu.memory_space<vmem_shared>>
      %dma_wait3A_31 = arith.constant 0 : i32
      %dma_wait3A_32 = tpu.memref_slice %arg10[%add3A_3, %dma_wait3A_31] : memref<10240x128xf32, #tpu.memory_space<vmem_shared>> -> memref<128x128xf32, #tpu.memory_space<vmem_shared>>
      tpu.wait_dma2 semaphore(%run_scoped3A : memref<!tpu.dma_semaphore, #tpu.memory_space<semaphore_mem>>) src(%arg9 : memref<128x128xf32, #tpu.memory_space<vmem>>) dst(%dma_wait3A_32 : memref<128x128xf32, #tpu.memory_space<vmem_shared>>)
      tpu.yield
    }) : () -> ()
    %add3A_4 = arith.constant 256 : i32
    %add3A_5 = arith.addi %mul3A_0, %add3A_4 : i32
    "tpu.region"() ({
      %run_scoped3A = tpu.sem_alloc : memref<!tpu.dma_semaphore, #tpu.memory_space<semaphore_mem>>
      %dma_start3A = arith.constant 0 : i32
      %dma_start3A_27 = tpu.memref_slice %arg10[%add3A_5, %dma_start3A] : memref<10240x128xf32, #tpu.memory_space<vmem_shared>> -> memref<128x128xf32, #tpu.memory_space<vmem_shared>>
      %dma_start3A_28 = arith.constant 0 : i32
      %dma_start3A_29 = tpu.memref_slice %arg10[%add3A_5, %dma_start3A_28] : memref<10240x128xf32, #tpu.memory_space<vmem_shared>> -> memref<128x128xf32, #tpu.memory_space<vmem_shared>>
      tpu.enqueue_dma source(%arg9 : memref<128x128xf32, #tpu.memory_space<vmem>>) target(%dma_start3A_29 : memref<128x128xf32, #tpu.memory_space<vmem_shared>>) target_semaphore(%run_scoped3A : memref<!tpu.dma_semaphore, #tpu.memory_space<semaphore_mem>>)
      %dma_wait3A = arith.constant 0 : i32
      %dma_wait3A_30 = tpu.memref_slice %arg10[%add3A_5, %dma_wait3A] : memref<10240x128xf32, #tpu.memory_space<vmem_shared>> -> memref<128x128xf32, #tpu.memory_space<vmem_shared>>
      %dma_wait3A_31 = arith.constant 0 : i32
      %dma_wait3A_32 = tpu.memref_slice %arg10[%add3A_5, %dma_wait3A_31] : memref<10240x128xf32, #tpu.memory_space<vmem_shared>> -> memref<128x128xf32, #tpu.memory_space<vmem_shared>>
      tpu.wait_dma2 semaphore(%run_scoped3A : memref<!tpu.dma_semaphore, #tpu.memory_space<semaphore_mem>>) src(%arg9 : memref<128x128xf32, #tpu.memory_space<vmem>>) dst(%dma_wait3A_32 : memref<128x128xf32, #tpu.memory_space<vmem_shared>>)
      tpu.yield
    }) : () -> ()
    %add3A_6 = arith.constant 384 : i32
    %add3A_7 = arith.addi %mul3A_0, %add3A_6 : i32
    "tpu.region"() ({
      %run_scoped3A = tpu.sem_alloc : memref<!tpu.dma_semaphore, #tpu.memory_space<semaphore_mem>>
      %dma_start3A = arith.constant 0 : i32
      %dma_start3A_27 = tpu.memref_slice %arg10[%add3A_7, %dma_start3A] : memref<10240x128xf32, #tpu.memory_space<vmem_shared>> -> memref<128x128xf32, #tpu.memory_space<vmem_shared>>
      %dma_start3A_28 = arith.constant 0 : i32
      %dma_start3A_29 = tpu.memref_slice %arg10[%add3A_7, %dma_start3A_28] : memref<10240x128xf32, #tpu.memory_space<vmem_shared>> -> memref<128x128xf32, #tpu.memory_space<vmem_shared>>
      tpu.enqueue_dma source(%arg9 : memref<128x128xf32, #tpu.memory_space<vmem>>) target(%dma_start3A_29 : memref<128x128xf32, #tpu.memory_space<vmem_shared>>) target_semaphore(%run_scoped3A : memref<!tpu.dma_semaphore, #tpu.memory_space<semaphore_mem>>)
      %dma_wait3A = arith.constant 0 : i32
      %dma_wait3A_30 = tpu.memref_slice %arg10[%add3A_7, %dma_wait3A] : memref<10240x128xf32, #tpu.memory_space<vmem_shared>> -> memref<128x128xf32, #tpu.memory_space<vmem_shared>>
      %dma_wait3A_31 = arith.constant 0 : i32
      %dma_wait3A_32 = tpu.memref_slice %arg10[%add3A_7, %dma_wait3A_31] : memref<10240x128xf32, #tpu.memory_space<vmem_shared>> -> memref<128x128xf32, #tpu.memory_space<vmem_shared>>
      tpu.wait_dma2 semaphore(%run_scoped3A : memref<!tpu.dma_semaphore, #tpu.memory_space<semaphore_mem>>) src(%arg9 : memref<128x128xf32, #tpu.memory_space<vmem>>) dst(%dma_wait3A_32 : memref<128x128xf32, #tpu.memory_space<vmem_shared>>)
      tpu.yield
    }) : () -> ()
    %add3A_8 = arith.constant 512 : i32
    %add3A_9 = arith.addi %mul3A_0, %add3A_8 : i32
    "tpu.region"() ({
      %run_scoped3A = tpu.sem_alloc : memref<!tpu.dma_semaphore, #tpu.memory_space<semaphore_mem>>
      %dma_start3A = arith.constant 0 : i32
      %dma_start3A_27 = tpu.memref_slice %arg10[%add3A_9, %dma_start3A] : memref<10240x128xf32, #tpu.memory_space<vmem_shared>> -> memref<128x128xf32, #tpu.memory_space<vmem_shared>>
      %dma_start3A_28 = arith.constant 0 : i32
      %dma_start3A_29 = tpu.memref_slice %arg10[%add3A_9, %dma_start3A_28] : memref<10240x128xf32, #tpu.memory_space<vmem_shared>> -> memref<128x128xf32, #tpu.memory_space<vmem_shared>>
      tpu.enqueue_dma source(%arg9 : memref<128x128xf32, #tpu.memory_space<vmem>>) target(%dma_start3A_29 : memref<128x128xf32, #tpu.memory_space<vmem_shared>>) target_semaphore(%run_scoped3A : memref<!tpu.dma_semaphore, #tpu.memory_space<semaphore_mem>>)
      %dma_wait3A = arith.constant 0 : i32
      %dma_wait3A_30 = tpu.memref_slice %arg10[%add3A_9, %dma_wait3A] : memref<10240x128xf32, #tpu.memory_space<vmem_shared>> -> memref<128x128xf32, #tpu.memory_space<vmem_shared>>
      %dma_wait3A_31 = arith.constant 0 : i32
      %dma_wait3A_32 = tpu.memref_slice %arg10[%add3A_9, %dma_wait3A_31] : memref<10240x128xf32, #tpu.memory_space<vmem_shared>> -> memref<128x128xf32, #tpu.memory_space<vmem_shared>>
      tpu.wait_dma2 semaphore(%run_scoped3A : memref<!tpu.dma_semaphore, #tpu.memory_space<semaphore_mem>>) src(%arg9 : memref<128x128xf32, #tpu.memory_space<vmem>>) dst(%dma_wait3A_32 : memref<128x128xf32, #tpu.memory_space<vmem_shared>>)
      tpu.yield
    }) : () -> ()
    %barrier3A = arith.constant 0 : index
    tpu.barrier barrier_id(%barrier3A)
    %mul3A_10 = arith.constant 160000 : i32
    %mul3A_11 = arith.muli %arg0, %mul3A_10 : i32
    %scan3A = arith.constant 0 : i32
    %scan3A_12 = arith.constant 79 : i32
    %scan3A_13 = arith.addi %scan3A, %scan3A_12 : i32
    %scan3A_14 = arith.constant 1 : i32
    scf.for %scan3A_27 = %scan3A to %scan3A_13 step %scan3A_14  : i32 {
      %mul3A_28 = arith.constant 16 : i32
      %mul3A_29 = arith.muli %scan3A_27, %mul3A_28 : i32
      %add3A_30 = arith.addi %arg1, %mul3A_29 : i32
      %lt3A = arith.constant 1250 : i32
      %lt3A_31 = arith.cmpi slt, %add3A_30, %lt3A : i32
      %convert_element_type3A = arith.extui %lt3A_31 : i1 to i32
      %cond3A = arith.constant 0 : i32
      %cond3A_32 = arith.cmpi ne, %convert_element_type3A, %cond3A : i32
      scf.if %cond3A_32 {
        %mul3A_33 = arith.constant 128 : i32
        %mul3A_34 = arith.muli %add3A_30, %mul3A_33 : i32
        %add3A_35 = arith.addi %mul3A_11, %mul3A_34 : i32
        "tpu.region"() ({
          %run_scoped3A = tpu.sem_alloc : memref<!tpu.dma_semaphore, #tpu.memory_space<semaphore_mem>>
          %dma_start3A_40 = tpu.memref_slice %arg3[%add3A_35] : memref<320000xi32, #tpu.memory_space<hbm>> -> memref<128xi32, #tpu.memory_space<hbm>>
          %dma_start3A_41 = tpu.memref_slice %arg3[%add3A_35] : memref<320000xi32, #tpu.memory_space<hbm>> -> memref<128xi32, #tpu.memory_space<hbm>>
          tpu.enqueue_dma source(%dma_start3A_41 : memref<128xi32, #tpu.memory_space<hbm>>) target(%arg7 : memref<128xi32, #tpu.memory_space<vmem>>) target_semaphore(%run_scoped3A : memref<!tpu.dma_semaphore, #tpu.memory_space<semaphore_mem>>)
          %dma_wait3A_42 = tpu.memref_slice %arg3[%add3A_35] : memref<320000xi32, #tpu.memory_space<hbm>> -> memref<128xi32, #tpu.memory_space<hbm>>
          %dma_wait3A_43 = tpu.memref_slice %arg3[%add3A_35] : memref<320000xi32, #tpu.memory_space<hbm>> -> memref<128xi32, #tpu.memory_space<hbm>>
          tpu.wait_dma2 semaphore(%run_scoped3A : memref<!tpu.dma_semaphore, #tpu.memory_space<semaphore_mem>>) src(%dma_wait3A_43 : memref<128xi32, #tpu.memory_space<hbm>>) dst(%arg7 : memref<128xi32, #tpu.memory_space<vmem>>)
          tpu.yield
        }) : () -> ()
        "tpu.region"() ({
          %run_scoped3A = tpu.sem_alloc : memref<!tpu.dma_semaphore, #tpu.memory_space<semaphore_mem>>
          %dma_start3A_40 = tpu.memref_slice %arg4[%add3A_35] : memref<320000xi32, #tpu.memory_space<hbm>> -> memref<128xi32, #tpu.memory_space<hbm>>
          %dma_start3A_41 = tpu.memref_slice %arg4[%add3A_35] : memref<320000xi32, #tpu.memory_space<hbm>> -> memref<128xi32, #tpu.memory_space<hbm>>
          tpu.enqueue_dma source(%dma_start3A_41 : memref<128xi32, #tpu.memory_space<hbm>>) target(%arg8 : memref<128xi32, #tpu.memory_space<vmem>>) target_semaphore(%run_scoped3A : memref<!tpu.dma_semaphore, #tpu.memory_space<semaphore_mem>>)
          %dma_wait3A_42 = tpu.memref_slice %arg4[%add3A_35] : memref<320000xi32, #tpu.memory_space<hbm>> -> memref<128xi32, #tpu.memory_space<hbm>>
          %dma_wait3A_43 = tpu.memref_slice %arg4[%add3A_35] : memref<320000xi32, #tpu.memory_space<hbm>> -> memref<128xi32, #tpu.memory_space<hbm>>
          tpu.wait_dma2 semaphore(%run_scoped3A : memref<!tpu.dma_semaphore, #tpu.memory_space<semaphore_mem>>) src(%dma_wait3A_43 : memref<128xi32, #tpu.memory_space<hbm>>) dst(%arg8 : memref<128xi32, #tpu.memory_space<vmem>>)
          tpu.yield
        }) : () -> ()
        %dma_start3A = arith.constant 0 : i32
        %dma_start3A_36 = arith.constant 0 : i32
        %dma_start3A_37 = tpu.memref_slice %arg2[%dma_start3A, %dma_start3A_36] : memref<10000x128xf32, #tpu.memory_space<hbm>> -> memref<10000x128xf32, #tpu.memory_space<hbm>>
        tpu.enqueue_indirect_dma source(%dma_start3A_37 : memref<10000x128xf32, #tpu.memory_space<hbm>>) target(%arg9 : memref<128x128xf32, #tpu.memory_space<vmem>>) offsets(%arg7 : memref<128xi32, #tpu.memory_space<vmem>>) semaphore(%arg11 : memref<!tpu.dma_semaphore, #tpu.memory_space<semaphore_mem>>)
        %dma_wait3A = arith.constant 0 : i32
        %dma_wait3A_38 = arith.constant 0 : i32
        %dma_wait3A_39 = tpu.memref_slice %arg2[%dma_wait3A, %dma_wait3A_38] : memref<10000x128xf32, #tpu.memory_space<hbm>> -> memref<10000x128xf32, #tpu.memory_space<hbm>>
        tpu.wait_indirect_dma semaphore(%arg11 : memref<!tpu.dma_semaphore, #tpu.memory_space<semaphore_mem>>) src(%dma_wait3A_39 : memref<10000x128xf32, #tpu.memory_space<hbm>>) dst(%arg9 : memref<128x128xf32, #tpu.memory_space<vmem>>)
        "tpu.region"() ({
          %run_scoped3A = tpu.sem_alloc : memref<!tpu.dma_semaphore, #tpu.memory_space<semaphore_mem>>
          %dma_start3A_40 = arith.constant 0 : i32
          %dma_start3A_41 = arith.constant 0 : i32
          %dma_start3A_42 = tpu.memref_slice %arg10[%dma_start3A_40, %dma_start3A_41] : memref<10240x128xf32, #tpu.memory_space<vmem_shared>> -> memref<10240x128xf32, #tpu.memory_space<vmem_shared>>
          tpu.enqueue_indirect_dma source(%arg9 : memref<128x128xf32, #tpu.memory_space<vmem>>) target(%dma_start3A_42 : memref<10240x128xf32, #tpu.memory_space<vmem_shared>>) offsets(%arg8 : memref<128xi32, #tpu.memory_space<vmem>>) semaphore(%run_scoped3A : memref<!tpu.dma_semaphore, #tpu.memory_space<semaphore_mem>>) {add = true}
          %dma_wait3A_43 = arith.constant 0 : i32
          %dma_wait3A_44 = arith.constant 0 : i32
          %dma_wait3A_45 = tpu.memref_slice %arg10[%dma_wait3A_43, %dma_wait3A_44] : memref<10240x128xf32, #tpu.memory_space<vmem_shared>> -> memref<10240x128xf32, #tpu.memory_space<vmem_shared>>
          tpu.wait_indirect_dma semaphore(%run_scoped3A : memref<!tpu.dma_semaphore, #tpu.memory_space<semaphore_mem>>) src(%arg9 : memref<128x128xf32, #tpu.memory_space<vmem>>) dst(%dma_wait3A_45 : memref<10240x128xf32, #tpu.memory_space<vmem_shared>>)
          tpu.yield
        }) : () -> ()
      } else {
      }
    }
    %scan3A_15 = arith.constant 79 : i32
    %barrier3A_16 = arith.constant 0 : index
    tpu.barrier barrier_id(%barrier3A_16)
    %add3A_17 = arith.constant 0 : i32
    %add3A_18 = arith.addi %mul3A_0, %add3A_17 : i32
    "tpu.region"() ({
      %run_scoped3A = tpu.sem_alloc : memref<!tpu.dma_semaphore, #tpu.memory_space<semaphore_mem>>
      %dma_start3A = arith.constant 0 : i32
      %dma_start3A_27 = tpu.memref_slice %arg10[%add3A_18, %dma_start3A] : memref<10240x128xf32, #tpu.memory_space<vmem_shared>> -> memref<128x128xf32, #tpu.memory_space<vmem_shared>>
      %dma_start3A_28 = arith.constant 0 : i32
      %dma_start3A_29 = tpu.memref_slice %arg10[%add3A_18, %dma_start3A_28] : memref<10240x128xf32, #tpu.memory_space<vmem_shared>> -> memref<128x128xf32, #tpu.memory_space<vmem_shared>>
      tpu.enqueue_dma source(%dma_start3A_29 : memref<128x128xf32, #tpu.memory_space<vmem_shared>>) target(%arg9 : memref<128x128xf32, #tpu.memory_space<vmem>>) target_semaphore(%run_scoped3A : memref<!tpu.dma_semaphore, #tpu.memory_space<semaphore_mem>>)
      %dma_wait3A = arith.constant 0 : i32
      %dma_wait3A_30 = tpu.memref_slice %arg10[%add3A_18, %dma_wait3A] : memref<10240x128xf32, #tpu.memory_space<vmem_shared>> -> memref<128x128xf32, #tpu.memory_space<vmem_shared>>
      %dma_wait3A_31 = arith.constant 0 : i32
      %dma_wait3A_32 = tpu.memref_slice %arg10[%add3A_18, %dma_wait3A_31] : memref<10240x128xf32, #tpu.memory_space<vmem_shared>> -> memref<128x128xf32, #tpu.memory_space<vmem_shared>>
      tpu.wait_dma2 semaphore(%run_scoped3A : memref<!tpu.dma_semaphore, #tpu.memory_space<semaphore_mem>>) src(%dma_wait3A_32 : memref<128x128xf32, #tpu.memory_space<vmem_shared>>) dst(%arg9 : memref<128x128xf32, #tpu.memory_space<vmem>>)
      tpu.yield
    }) : () -> ()
    "tpu.region"() ({
      %run_scoped3A = tpu.sem_alloc : memref<!tpu.dma_semaphore, #tpu.memory_space<semaphore_mem>>
      %dma_start3A = arith.constant 0 : i32
      %dma_start3A_27 = tpu.memref_slice %arg6[%arg0, %add3A_18, %dma_start3A] : memref<2x10240x128xf32, #tpu.memory_space<hbm>> -> memref<1x128x128xf32, #tpu.memory_space<hbm>>
      %dma_start3A_28 = tpu.memref_squeeze %dma_start3A_27 : memref<1x128x128xf32, #tpu.memory_space<hbm>> -> memref<128x128xf32, #tpu.memory_space<hbm>>
      %dma_start3A_29 = arith.constant 0 : i32
      %dma_start3A_30 = tpu.memref_slice %arg6[%arg0, %add3A_18, %dma_start3A_29] : memref<2x10240x128xf32, #tpu.memory_space<hbm>> -> memref<1x128x128xf32, #tpu.memory_space<hbm>>
      %dma_start3A_31 = tpu.memref_squeeze %dma_start3A_30 : memref<1x128x128xf32, #tpu.memory_space<hbm>> -> memref<128x128xf32, #tpu.memory_space<hbm>>
      tpu.enqueue_dma source(%arg9 : memref<128x128xf32, #tpu.memory_space<vmem>>) target(%dma_start3A_31 : memref<128x128xf32, #tpu.memory_space<hbm>>) target_semaphore(%run_scoped3A : memref<!tpu.dma_semaphore, #tpu.memory_space<semaphore_mem>>)
      %dma_wait3A = arith.constant 0 : i32
      %dma_wait3A_32 = tpu.memref_slice %arg6[%arg0, %add3A_18, %dma_wait3A] : memref<2x10240x128xf32, #tpu.memory_space<hbm>> -> memref<1x128x128xf32, #tpu.memory_space<hbm>>
      %dma_wait3A_33 = tpu.memref_squeeze %dma_wait3A_32 : memref<1x128x128xf32, #tpu.memory_space<hbm>> -> memref<128x128xf32, #tpu.memory_space<hbm>>
      %dma_wait3A_34 = arith.constant 0 : i32
      %dma_wait3A_35 = tpu.memref_slice %arg6[%arg0, %add3A_18, %dma_wait3A_34] : memref<2x10240x128xf32, #tpu.memory_space<hbm>> -> memref<1x128x128xf32, #tpu.memory_space<hbm>>
      %dma_wait3A_36 = tpu.memref_squeeze %dma_wait3A_35 : memref<1x128x128xf32, #tpu.memory_space<hbm>> -> memref<128x128xf32, #tpu.memory_space<hbm>>
      tpu.wait_dma2 semaphore(%run_scoped3A : memref<!tpu.dma_semaphore, #tpu.memory_space<semaphore_mem>>) src(%arg9 : memref<128x128xf32, #tpu.memory_space<vmem>>) dst(%dma_wait3A_36 : memref<128x128xf32, #tpu.memory_space<hbm>>)
      tpu.yield
    }) : () -> ()
    %add3A_19 = arith.constant 128 : i32
    %add3A_20 = arith.addi %mul3A_0, %add3A_19 : i32
    "tpu.region"() ({
      %run_scoped3A = tpu.sem_alloc : memref<!tpu.dma_semaphore, #tpu.memory_space<semaphore_mem>>
      %dma_start3A = arith.constant 0 : i32
      %dma_start3A_27 = tpu.memref_slice %arg10[%add3A_20, %dma_start3A] : memref<10240x128xf32, #tpu.memory_space<vmem_shared>> -> memref<128x128xf32, #tpu.memory_space<vmem_shared>>
      %dma_start3A_28 = arith.constant 0 : i32
      %dma_start3A_29 = tpu.memref_slice %arg10[%add3A_20, %dma_start3A_28] : memref<10240x128xf32, #tpu.memory_space<vmem_shared>> -> memref<128x128xf32, #tpu.memory_space<vmem_shared>>
      tpu.enqueue_dma source(%dma_start3A_29 : memref<128x128xf32, #tpu.memory_space<vmem_shared>>) target(%arg9 : memref<128x128xf32, #tpu.memory_space<vmem>>) target_semaphore(%run_scoped3A : memref<!tpu.dma_semaphore, #tpu.memory_space<semaphore_mem>>)
      %dma_wait3A = arith.constant 0 : i32
      %dma_wait3A_30 = tpu.memref_slice %arg10[%add3A_20, %dma_wait3A] : memref<10240x128xf32, #tpu.memory_space<vmem_shared>> -> memref<128x128xf32, #tpu.memory_space<vmem_shared>>
      %dma_wait3A_31 = arith.constant 0 : i32
      %dma_wait3A_32 = tpu.memref_slice %arg10[%add3A_20, %dma_wait3A_31] : memref<10240x128xf32, #tpu.memory_space<vmem_shared>> -> memref<128x128xf32, #tpu.memory_space<vmem_shared>>
      tpu.wait_dma2 semaphore(%run_scoped3A : memref<!tpu.dma_semaphore, #tpu.memory_space<semaphore_mem>>) src(%dma_wait3A_32 : memref<128x128xf32, #tpu.memory_space<vmem_shared>>) dst(%arg9 : memref<128x128xf32, #tpu.memory_space<vmem>>)
      tpu.yield
    }) : () -> ()
    "tpu.region"() ({
      %run_scoped3A = tpu.sem_alloc : memref<!tpu.dma_semaphore, #tpu.memory_space<semaphore_mem>>
      %dma_start3A = arith.constant 0 : i32
      %dma_start3A_27 = tpu.memref_slice %arg6[%arg0, %add3A_20, %dma_start3A] : memref<2x10240x128xf32, #tpu.memory_space<hbm>> -> memref<1x128x128xf32, #tpu.memory_space<hbm>>
      %dma_start3A_28 = tpu.memref_squeeze %dma_start3A_27 : memref<1x128x128xf32, #tpu.memory_space<hbm>> -> memref<128x128xf32, #tpu.memory_space<hbm>>
      %dma_start3A_29 = arith.constant 0 : i32
      %dma_start3A_30 = tpu.memref_slice %arg6[%arg0, %add3A_20, %dma_start3A_29] : memref<2x10240x128xf32, #tpu.memory_space<hbm>> -> memref<1x128x128xf32, #tpu.memory_space<hbm>>
      %dma_start3A_31 = tpu.memref_squeeze %dma_start3A_30 : memref<1x128x128xf32, #tpu.memory_space<hbm>> -> memref<128x128xf32, #tpu.memory_space<hbm>>
      tpu.enqueue_dma source(%arg9 : memref<128x128xf32, #tpu.memory_space<vmem>>) target(%dma_start3A_31 : memref<128x128xf32, #tpu.memory_space<hbm>>) target_semaphore(%run_scoped3A : memref<!tpu.dma_semaphore, #tpu.memory_space<semaphore_mem>>)
      %dma_wait3A = arith.constant 0 : i32
      %dma_wait3A_32 = tpu.memref_slice %arg6[%arg0, %add3A_20, %dma_wait3A] : memref<2x10240x128xf32, #tpu.memory_space<hbm>> -> memref<1x128x128xf32, #tpu.memory_space<hbm>>
      %dma_wait3A_33 = tpu.memref_squeeze %dma_wait3A_32 : memref<1x128x128xf32, #tpu.memory_space<hbm>> -> memref<128x128xf32, #tpu.memory_space<hbm>>
      %dma_wait3A_34 = arith.constant 0 : i32
      %dma_wait3A_35 = tpu.memref_slice %arg6[%arg0, %add3A_20, %dma_wait3A_34] : memref<2x10240x128xf32, #tpu.memory_space<hbm>> -> memref<1x128x128xf32, #tpu.memory_space<hbm>>
      %dma_wait3A_36 = tpu.memref_squeeze %dma_wait3A_35 : memref<1x128x128xf32, #tpu.memory_space<hbm>> -> memref<128x128xf32, #tpu.memory_space<hbm>>
      tpu.wait_dma2 semaphore(%run_scoped3A : memref<!tpu.dma_semaphore, #tpu.memory_space<semaphore_mem>>) src(%arg9 : memref<128x128xf32, #tpu.memory_space<vmem>>) dst(%dma_wait3A_36 : memref<128x128xf32, #tpu.memory_space<hbm>>)
      tpu.yield
    }) : () -> ()
    %add3A_21 = arith.constant 256 : i32
    %add3A_22 = arith.addi %mul3A_0, %add3A_21 : i32
    "tpu.region"() ({
      %run_scoped3A = tpu.sem_alloc : memref<!tpu.dma_semaphore, #tpu.memory_space<semaphore_mem>>
      %dma_start3A = arith.constant 0 : i32
      %dma_start3A_27 = tpu.memref_slice %arg10[%add3A_22, %dma_start3A] : memref<10240x128xf32, #tpu.memory_space<vmem_shared>> -> memref<128x128xf32, #tpu.memory_space<vmem_shared>>
      %dma_start3A_28 = arith.constant 0 : i32
      %dma_start3A_29 = tpu.memref_slice %arg10[%add3A_22, %dma_start3A_28] : memref<10240x128xf32, #tpu.memory_space<vmem_shared>> -> memref<128x128xf32, #tpu.memory_space<vmem_shared>>
      tpu.enqueue_dma source(%dma_start3A_29 : memref<128x128xf32, #tpu.memory_space<vmem_shared>>) target(%arg9 : memref<128x128xf32, #tpu.memory_space<vmem>>) target_semaphore(%run_scoped3A : memref<!tpu.dma_semaphore, #tpu.memory_space<semaphore_mem>>)
      %dma_wait3A = arith.constant 0 : i32
      %dma_wait3A_30 = tpu.memref_slice %arg10[%add3A_22, %dma_wait3A] : memref<10240x128xf32, #tpu.memory_space<vmem_shared>> -> memref<128x128xf32, #tpu.memory_space<vmem_shared>>
      %dma_wait3A_31 = arith.constant 0 : i32
      %dma_wait3A_32 = tpu.memref_slice %arg10[%add3A_22, %dma_wait3A_31] : memref<10240x128xf32, #tpu.memory_space<vmem_shared>> -> memref<128x128xf32, #tpu.memory_space<vmem_shared>>
      tpu.wait_dma2 semaphore(%run_scoped3A : memref<!tpu.dma_semaphore, #tpu.memory_space<semaphore_mem>>) src(%dma_wait3A_32 : memref<128x128xf32, #tpu.memory_space<vmem_shared>>) dst(%arg9 : memref<128x128xf32, #tpu.memory_space<vmem>>)
      tpu.yield
    }) : () -> ()
    "tpu.region"() ({
      %run_scoped3A = tpu.sem_alloc : memref<!tpu.dma_semaphore, #tpu.memory_space<semaphore_mem>>
      %dma_start3A = arith.constant 0 : i32
      %dma_start3A_27 = tpu.memref_slice %arg6[%arg0, %add3A_22, %dma_start3A] : memref<2x10240x128xf32, #tpu.memory_space<hbm>> -> memref<1x128x128xf32, #tpu.memory_space<hbm>>
      %dma_start3A_28 = tpu.memref_squeeze %dma_start3A_27 : memref<1x128x128xf32, #tpu.memory_space<hbm>> -> memref<128x128xf32, #tpu.memory_space<hbm>>
      %dma_start3A_29 = arith.constant 0 : i32
      %dma_start3A_30 = tpu.memref_slice %arg6[%arg0, %add3A_22, %dma_start3A_29] : memref<2x10240x128xf32, #tpu.memory_space<hbm>> -> memref<1x128x128xf32, #tpu.memory_space<hbm>>
      %dma_start3A_31 = tpu.memref_squeeze %dma_start3A_30 : memref<1x128x128xf32, #tpu.memory_space<hbm>> -> memref<128x128xf32, #tpu.memory_space<hbm>>
      tpu.enqueue_dma source(%arg9 : memref<128x128xf32, #tpu.memory_space<vmem>>) target(%dma_start3A_31 : memref<128x128xf32, #tpu.memory_space<hbm>>) target_semaphore(%run_scoped3A : memref<!tpu.dma_semaphore, #tpu.memory_space<semaphore_mem>>)
      %dma_wait3A = arith.constant 0 : i32
      %dma_wait3A_32 = tpu.memref_slice %arg6[%arg0, %add3A_22, %dma_wait3A] : memref<2x10240x128xf32, #tpu.memory_space<hbm>> -> memref<1x128x128xf32, #tpu.memory_space<hbm>>
      %dma_wait3A_33 = tpu.memref_squeeze %dma_wait3A_32 : memref<1x128x128xf32, #tpu.memory_space<hbm>> -> memref<128x128xf32, #tpu.memory_space<hbm>>
      %dma_wait3A_34 = arith.constant 0 : i32
      %dma_wait3A_35 = tpu.memref_slice %arg6[%arg0, %add3A_22, %dma_wait3A_34] : memref<2x10240x128xf32, #tpu.memory_space<hbm>> -> memref<1x128x128xf32, #tpu.memory_space<hbm>>
      %dma_wait3A_36 = tpu.memref_squeeze %dma_wait3A_35 : memref<1x128x128xf32, #tpu.memory_space<hbm>> -> memref<128x128xf32, #tpu.memory_space<hbm>>
      tpu.wait_dma2 semaphore(%run_scoped3A : memref<!tpu.dma_semaphore, #tpu.memory_space<semaphore_mem>>) src(%arg9 : memref<128x128xf32, #tpu.memory_space<vmem>>) dst(%dma_wait3A_36 : memref<128x128xf32, #tpu.memory_space<hbm>>)
      tpu.yield
    }) : () -> ()
    %add3A_23 = arith.constant 384 : i32
    %add3A_24 = arith.addi %mul3A_0, %add3A_23 : i32
    "tpu.region"() ({
      %run_scoped3A = tpu.sem_alloc : memref<!tpu.dma_semaphore, #tpu.memory_space<semaphore_mem>>
      %dma_start3A = arith.constant 0 : i32
      %dma_start3A_27 = tpu.memref_slice %arg10[%add3A_24, %dma_start3A] : memref<10240x128xf32, #tpu.memory_space<vmem_shared>> -> memref<128x128xf32, #tpu.memory_space<vmem_shared>>
      %dma_start3A_28 = arith.constant 0 : i32
      %dma_start3A_29 = tpu.memref_slice %arg10[%add3A_24, %dma_start3A_28] : memref<10240x128xf32, #tpu.memory_space<vmem_shared>> -> memref<128x128xf32, #tpu.memory_space<vmem_shared>>
      tpu.enqueue_dma source(%dma_start3A_29 : memref<128x128xf32, #tpu.memory_space<vmem_shared>>) target(%arg9 : memref<128x128xf32, #tpu.memory_space<vmem>>) target_semaphore(%run_scoped3A : memref<!tpu.dma_semaphore, #tpu.memory_space<semaphore_mem>>)
      %dma_wait3A = arith.constant 0 : i32
      %dma_wait3A_30 = tpu.memref_slice %arg10[%add3A_24, %dma_wait3A] : memref<10240x128xf32, #tpu.memory_space<vmem_shared>> -> memref<128x128xf32, #tpu.memory_space<vmem_shared>>
      %dma_wait3A_31 = arith.constant 0 : i32
      %dma_wait3A_32 = tpu.memref_slice %arg10[%add3A_24, %dma_wait3A_31] : memref<10240x128xf32, #tpu.memory_space<vmem_shared>> -> memref<128x128xf32, #tpu.memory_space<vmem_shared>>
      tpu.wait_dma2 semaphore(%run_scoped3A : memref<!tpu.dma_semaphore, #tpu.memory_space<semaphore_mem>>) src(%dma_wait3A_32 : memref<128x128xf32, #tpu.memory_space<vmem_shared>>) dst(%arg9 : memref<128x128xf32, #tpu.memory_space<vmem>>)
      tpu.yield
    }) : () -> ()
    "tpu.region"() ({
      %run_scoped3A = tpu.sem_alloc : memref<!tpu.dma_semaphore, #tpu.memory_space<semaphore_mem>>
      %dma_start3A = arith.constant 0 : i32
      %dma_start3A_27 = tpu.memref_slice %arg6[%arg0, %add3A_24, %dma_start3A] : memref<2x10240x128xf32, #tpu.memory_space<hbm>> -> memref<1x128x128xf32, #tpu.memory_space<hbm>>
      %dma_start3A_28 = tpu.memref_squeeze %dma_start3A_27 : memref<1x128x128xf32, #tpu.memory_space<hbm>> -> memref<128x128xf32, #tpu.memory_space<hbm>>
      %dma_start3A_29 = arith.constant 0 : i32
      %dma_start3A_30 = tpu.memref_slice %arg6[%arg0, %add3A_24, %dma_start3A_29] : memref<2x10240x128xf32, #tpu.memory_space<hbm>> -> memref<1x128x128xf32, #tpu.memory_space<hbm>>
      %dma_start3A_31 = tpu.memref_squeeze %dma_start3A_30 : memref<1x128x128xf32, #tpu.memory_space<hbm>> -> memref<128x128xf32, #tpu.memory_space<hbm>>
      tpu.enqueue_dma source(%arg9 : memref<128x128xf32, #tpu.memory_space<vmem>>) target(%dma_start3A_31 : memref<128x128xf32, #tpu.memory_space<hbm>>) target_semaphore(%run_scoped3A : memref<!tpu.dma_semaphore, #tpu.memory_space<semaphore_mem>>)
      %dma_wait3A = arith.constant 0 : i32
      %dma_wait3A_32 = tpu.memref_slice %arg6[%arg0, %add3A_24, %dma_wait3A] : memref<2x10240x128xf32, #tpu.memory_space<hbm>> -> memref<1x128x128xf32, #tpu.memory_space<hbm>>
      %dma_wait3A_33 = tpu.memref_squeeze %dma_wait3A_32 : memref<1x128x128xf32, #tpu.memory_space<hbm>> -> memref<128x128xf32, #tpu.memory_space<hbm>>
      %dma_wait3A_34 = arith.constant 0 : i32
      %dma_wait3A_35 = tpu.memref_slice %arg6[%arg0, %add3A_24, %dma_wait3A_34] : memref<2x10240x128xf32, #tpu.memory_space<hbm>> -> memref<1x128x128xf32, #tpu.memory_space<hbm>>
      %dma_wait3A_36 = tpu.memref_squeeze %dma_wait3A_35 : memref<1x128x128xf32, #tpu.memory_space<hbm>> -> memref<128x128xf32, #tpu.memory_space<hbm>>
      tpu.wait_dma2 semaphore(%run_scoped3A : memref<!tpu.dma_semaphore, #tpu.memory_space<semaphore_mem>>) src(%arg9 : memref<128x128xf32, #tpu.memory_space<vmem>>) dst(%dma_wait3A_36 : memref<128x128xf32, #tpu.memory_space<hbm>>)
      tpu.yield
    }) : () -> ()
    %add3A_25 = arith.constant 512 : i32
    %add3A_26 = arith.addi %mul3A_0, %add3A_25 : i32
    "tpu.region"() ({
      %run_scoped3A = tpu.sem_alloc : memref<!tpu.dma_semaphore, #tpu.memory_space<semaphore_mem>>
      %dma_start3A = arith.constant 0 : i32
      %dma_start3A_27 = tpu.memref_slice %arg10[%add3A_26, %dma_start3A] : memref<10240x128xf32, #tpu.memory_space<vmem_shared>> -> memref<128x128xf32, #tpu.memory_space<vmem_shared>>
      %dma_start3A_28 = arith.constant 0 : i32
      %dma_start3A_29 = tpu.memref_slice %arg10[%add3A_26, %dma_start3A_28] : memref<10240x128xf32, #tpu.memory_space<vmem_shared>> -> memref<128x128xf32, #tpu.memory_space<vmem_shared>>
      tpu.enqueue_dma source(%dma_start3A_29 : memref<128x128xf32, #tpu.memory_space<vmem_shared>>) target(%arg9 : memref<128x128xf32, #tpu.memory_space<vmem>>) target_semaphore(%run_scoped3A : memref<!tpu.dma_semaphore, #tpu.memory_space<semaphore_mem>>)
      %dma_wait3A = arith.constant 0 : i32
      %dma_wait3A_30 = tpu.memref_slice %arg10[%add3A_26, %dma_wait3A] : memref<10240x128xf32, #tpu.memory_space<vmem_shared>> -> memref<128x128xf32, #tpu.memory_space<vmem_shared>>
      %dma_wait3A_31 = arith.constant 0 : i32
      %dma_wait3A_32 = tpu.memref_slice %arg10[%add3A_26, %dma_wait3A_31] : memref<10240x128xf32, #tpu.memory_space<vmem_shared>> -> memref<128x128xf32, #tpu.memory_space<vmem_shared>>
      tpu.wait_dma2 semaphore(%run_scoped3A : memref<!tpu.dma_semaphore, #tpu.memory_space<semaphore_mem>>) src(%dma_wait3A_32 : memref<128x128xf32, #tpu.memory_space<vmem_shared>>) dst(%arg9 : memref<128x128xf32, #tpu.memory_space<vmem>>)
      tpu.yield
    }) : () -> ()
    "tpu.region"() ({
      %run_scoped3A = tpu.sem_alloc : memref<!tpu.dma_semaphore, #tpu.memory_space<semaphore_mem>>
      %dma_start3A = arith.constant 0 : i32
      %dma_start3A_27 = tpu.memref_slice %arg6[%arg0, %add3A_26, %dma_start3A] : memref<2x10240x128xf32, #tpu.memory_space<hbm>> -> memref<1x128x128xf32, #tpu.memory_space<hbm>>
      %dma_start3A_28 = tpu.memref_squeeze %dma_start3A_27 : memref<1x128x128xf32, #tpu.memory_space<hbm>> -> memref<128x128xf32, #tpu.memory_space<hbm>>
      %dma_start3A_29 = arith.constant 0 : i32
      %dma_start3A_30 = tpu.memref_slice %arg6[%arg0, %add3A_26, %dma_start3A_29] : memref<2x10240x128xf32, #tpu.memory_space<hbm>> -> memref<1x128x128xf32, #tpu.memory_space<hbm>>
      %dma_start3A_31 = tpu.memref_squeeze %dma_start3A_30 : memref<1x128x128xf32, #tpu.memory_space<hbm>> -> memref<128x128xf32, #tpu.memory_space<hbm>>
      tpu.enqueue_dma source(%arg9 : memref<128x128xf32, #tpu.memory_space<vmem>>) target(%dma_start3A_31 : memref<128x128xf32, #tpu.memory_space<hbm>>) target_semaphore(%run_scoped3A : memref<!tpu.dma_semaphore, #tpu.memory_space<semaphore_mem>>)
      %dma_wait3A = arith.constant 0 : i32
      %dma_wait3A_32 = tpu.memref_slice %arg6[%arg0, %add3A_26, %dma_wait3A] : memref<2x10240x128xf32, #tpu.memory_space<hbm>> -> memref<1x128x128xf32, #tpu.memory_space<hbm>>
      %dma_wait3A_33 = tpu.memref_squeeze %dma_wait3A_32 : memref<1x128x128xf32, #tpu.memory_space<hbm>> -> memref<128x128xf32, #tpu.memory_space<hbm>>
      %dma_wait3A_34 = arith.constant 0 : i32
      %dma_wait3A_35 = tpu.memref_slice %arg6[%arg0, %add3A_26, %dma_wait3A_34] : memref<2x10240x128xf32, #tpu.memory_space<hbm>> -> memref<1x128x128xf32, #tpu.memory_space<hbm>>
      %dma_wait3A_36 = tpu.memref_squeeze %dma_wait3A_35 : memref<1x128x128xf32, #tpu.memory_space<hbm>> -> memref<128x128xf32, #tpu.memory_space<hbm>>
      tpu.wait_dma2 semaphore(%run_scoped3A : memref<!tpu.dma_semaphore, #tpu.memory_space<semaphore_mem>>) src(%arg9 : memref<128x128xf32, #tpu.memory_space<vmem>>) dst(%dma_wait3A_36 : memref<128x128xf32, #tpu.memory_space<hbm>>)
      tpu.yield
    }) : () -> ()
    return
  }
}

#map = affine_map<(d0, d1) -> (0, 0)>
#map1 = affine_map<(d0, d1) -> (0)>
#map2 = affine_map<(d0, d1) -> (0, 0, 0)>
module attributes {stable_mosaic.version = 14 : i64} {
  func.func @k(%arg0: i32, %arg1: i32, %arg2: memref<10000x128xf32, #tpu.memory_space<hbm>>, %arg3: memref<320000xi32, #tpu.memory_space<hbm>>, %arg4: memref<320000xi32, #tpu.memory_space<hbm>>, %arg5: memref<128x128xf32, #tpu.memory_space<hbm>>, %arg6: memref<2x10240x128xf32, #tpu.memory_space<hbm>>, %arg7: memref<128xi32, #tpu.memory_space<vmem>>, %arg8: memref<128xi32, #tpu.memory_space<vmem>>, %arg9: memref<128x128xf32, #tpu.memory_space<vmem>>, %arg10: memref<10240x128xf32, #tpu.memory_space<vmem_shared>>, %arg11: memref<!tpu.dma_semaphore, #tpu.memory_space<semaphore_mem>>) attributes {dimension_semantics = [#tpu.dimension_semantics<core_parallel>, #tpu.dimension_semantics<subcore_parallel>], iteration_bounds = array<i64: 2, 16>, scalar_prefetch = 0 : i64, scratch_operands = 5 : i64, tpu.core_type = #tpu.core_type<sc_vector_subcore>, window_params = [{transform_indices = #map}, {transform_indices = #map1}, {transform_indices = #map1}, {transform_indices = #map}, {transform_indices = #map2}]} {
    %mul3A = arith.constant 640 : i32
    %mul3A_0 = arith.muli %arg1, %mul3A : i32
    "tpu.region"() ({
      %run_scoped3A = tpu.sem_alloc : memref<!tpu.dma_semaphore, #tpu.memory_space<semaphore_mem>>
      tpu.enqueue_dma source(%arg5 : memref<128x128xf32, #tpu.memory_space<hbm>>) target(%arg9 : memref<128x128xf32, #tpu.memory_space<vmem>>) target_semaphore(%run_scoped3A : memref<!tpu.dma_semaphore, #tpu.memory_space<semaphore_mem>>)
      tpu.wait_dma2 semaphore(%run_scoped3A : memref<!tpu.dma_semaphore, #tpu.memory_space<semaphore_mem>>) src(%arg5 : memref<128x128xf32, #tpu.memory_space<hbm>>) dst(%arg9 : memref<128x128xf32, #tpu.memory_space<vmem>>)
      tpu.yield
    }) : () -> ()
    %add3A = arith.constant 0 : i32
    %add3A_1 = arith.addi %mul3A_0, %add3A : i32
    "tpu.region"() ({
      %run_scoped3A = tpu.sem_alloc : memref<!tpu.dma_semaphore, #tpu.memory_space<semaphore_mem>>
      %dma_start3A = arith.constant 0 : i32
      %dma_start3A_27 = tpu.memref_slice %arg10[%add3A_1, %dma_start3A] : memref<10240x128xf32, #tpu.memory_space<vmem_shared>> -> memref<128x128xf32, #tpu.memory_space<vmem_shared>>
      %dma_start3A_28 = arith.constant 0 : i32
      %dma_start3A_29 = tpu.memref_slice %arg10[%add3A_1, %dma_start3A_28] : memref<10240x128xf32, #tpu.memory_space<vmem_shared>> -> memref<128x128xf32, #tpu.memory_space<vmem_shared>>
      tpu.enqueue_dma source(%arg9 : memref<128x128xf32, #tpu.memory_space<vmem>>) target(%dma_start3A_29 : memref<128x128xf32, #tpu.memory_space<vmem_shared>>) target_semaphore(%run_scoped3A : memref<!tpu.dma_semaphore, #tpu.memory_space<semaphore_mem>>)
      %dma_wait3A = arith.constant 0 : i32
      %dma_wait3A_30 = tpu.memref_slice %arg10[%add3A_1, %dma_wait3A] : memref<10240x128xf32, #tpu.memory_space<vmem_shared>> -> memref<128x128xf32, #tpu.memory_space<vmem_shared>>
      %dma_wait3A_31 = arith.constant 0 : i32
      %dma_wait3A_32 = tpu.memref_slice %arg10[%add3A_1, %dma_wait3A_31] : memref<10240x128xf32, #tpu.memory_space<vmem_shared>> -> memref<128x128xf32, #tpu.memory_space<vmem_shared>>
      tpu.wait_dma2 semaphore(%run_scoped3A : memref<!tpu.dma_semaphore, #tpu.memory_space<semaphore_mem>>) src(%arg9 : memref<128x128xf32, #tpu.memory_space<vmem>>) dst(%dma_wait3A_32 : memref<128x128xf32, #tpu.memory_space<vmem_shared>>)
      tpu.yield
    }) : () -> ()
    %add3A_2 = arith.constant 128 : i32
    %add3A_3 = arith.addi %mul3A_0, %add3A_2 : i32
    "tpu.region"() ({
      %run_scoped3A = tpu.sem_alloc : memref<!tpu.dma_semaphore, #tpu.memory_space<semaphore_mem>>
      %dma_start3A = arith.constant 0 : i32
      %dma_start3A_27 = tpu.memref_slice %arg10[%add3A_3, %dma_start3A] : memref<10240x128xf32, #tpu.memory_space<vmem_shared>> -> memref<128x128xf32, #tpu.memory_space<vmem_shared>>
      %dma_start3A_28 = arith.constant 0 : i32
      %dma_start3A_29 = tpu.memref_slice %arg10[%add3A_3, %dma_start3A_28] : memref<10240x128xf32, #tpu.memory_space<vmem_shared>> -> memref<128x128xf32, #tpu.memory_space<vmem_shared>>
      tpu.enqueue_dma source(%arg9 : memref<128x128xf32, #tpu.memory_space<vmem>>) target(%dma_start3A_29 : memref<128x128xf32, #tpu.memory_space<vmem_shared>>) target_semaphore(%run_scoped3A : memref<!tpu.dma_semaphore, #tpu.memory_space<semaphore_mem>>)
      %dma_wait3A = arith.constant 0 : i32
      %dma_wait3A_30 = tpu.memref_slice %arg10[%add3A_3, %dma_wait3A] : memref<10240x128xf32, #tpu.memory_space<vmem_shared>> -> memref<128x128xf32, #tpu.memory_space<vmem_shared>>
      %dma_wait3A_31 = arith.constant 0 : i32
      %dma_wait3A_32 = tpu.memref_slice %arg10[%add3A_3, %dma_wait3A_31] : memref<10240x128xf32, #tpu.memory_space<vmem_shared>> -> memref<128x128xf32, #tpu.memory_space<vmem_shared>>
      tpu.wait_dma2 semaphore(%run_scoped3A : memref<!tpu.dma_semaphore, #tpu.memory_space<semaphore_mem>>) src(%arg9 : memref<128x128xf32, #tpu.memory_space<vmem>>) dst(%dma_wait3A_32 : memref<128x128xf32, #tpu.memory_space<vmem_shared>>)
      tpu.yield
    }) : () -> ()
    %add3A_4 = arith.constant 256 : i32
    %add3A_5 = arith.addi %mul3A_0, %add3A_4 : i32
    "tpu.region"() ({
      %run_scoped3A = tpu.sem_alloc : memref<!tpu.dma_semaphore, #tpu.memory_space<semaphore_mem>>
      %dma_start3A = arith.constant 0 : i32
      %dma_start3A_27 = tpu.memref_slice %arg10[%add3A_5, %dma_start3A] : memref<10240x128xf32, #tpu.memory_space<vmem_shared>> -> memref<128x128xf32, #tpu.memory_space<vmem_shared>>
      %dma_start3A_28 = arith.constant 0 : i32
      %dma_start3A_29 = tpu.memref_slice %arg10[%add3A_5, %dma_start3A_28] : memref<10240x128xf32, #tpu.memory_space<vmem_shared>> -> memref<128x128xf32, #tpu.memory_space<vmem_shared>>
      tpu.enqueue_dma source(%arg9 : memref<128x128xf32, #tpu.memory_space<vmem>>) target(%dma_start3A_29 : memref<128x128xf32, #tpu.memory_space<vmem_shared>>) target_semaphore(%run_scoped3A : memref<!tpu.dma_semaphore, #tpu.memory_space<semaphore_mem>>)
      %dma_wait3A = arith.constant 0 : i32
      %dma_wait3A_30 = tpu.memref_slice %arg10[%add3A_5, %dma_wait3A] : memref<10240x128xf32, #tpu.memory_space<vmem_shared>> -> memref<128x128xf32, #tpu.memory_space<vmem_shared>>
      %dma_wait3A_31 = arith.constant 0 : i32
      %dma_wait3A_32 = tpu.memref_slice %arg10[%add3A_5, %dma_wait3A_31] : memref<10240x128xf32, #tpu.memory_space<vmem_shared>> -> memref<128x128xf32, #tpu.memory_space<vmem_shared>>
      tpu.wait_dma2 semaphore(%run_scoped3A : memref<!tpu.dma_semaphore, #tpu.memory_space<semaphore_mem>>) src(%arg9 : memref<128x128xf32, #tpu.memory_space<vmem>>) dst(%dma_wait3A_32 : memref<128x128xf32, #tpu.memory_space<vmem_shared>>)
      tpu.yield
    }) : () -> ()
    %add3A_6 = arith.constant 384 : i32
    %add3A_7 = arith.addi %mul3A_0, %add3A_6 : i32
    "tpu.region"() ({
      %run_scoped3A = tpu.sem_alloc : memref<!tpu.dma_semaphore, #tpu.memory_space<semaphore_mem>>
      %dma_start3A = arith.constant 0 : i32
      %dma_start3A_27 = tpu.memref_slice %arg10[%add3A_7, %dma_start3A] : memref<10240x128xf32, #tpu.memory_space<vmem_shared>> -> memref<128x128xf32, #tpu.memory_space<vmem_shared>>
      %dma_start3A_28 = arith.constant 0 : i32
      %dma_start3A_29 = tpu.memref_slice %arg10[%add3A_7, %dma_start3A_28] : memref<10240x128xf32, #tpu.memory_space<vmem_shared>> -> memref<128x128xf32, #tpu.memory_space<vmem_shared>>
      tpu.enqueue_dma source(%arg9 : memref<128x128xf32, #tpu.memory_space<vmem>>) target(%dma_start3A_29 : memref<128x128xf32, #tpu.memory_space<vmem_shared>>) target_semaphore(%run_scoped3A : memref<!tpu.dma_semaphore, #tpu.memory_space<semaphore_mem>>)
      %dma_wait3A = arith.constant 0 : i32
      %dma_wait3A_30 = tpu.memref_slice %arg10[%add3A_7, %dma_wait3A] : memref<10240x128xf32, #tpu.memory_space<vmem_shared>> -> memref<128x128xf32, #tpu.memory_space<vmem_shared>>
      %dma_wait3A_31 = arith.constant 0 : i32
      %dma_wait3A_32 = tpu.memref_slice %arg10[%add3A_7, %dma_wait3A_31] : memref<10240x128xf32, #tpu.memory_space<vmem_shared>> -> memref<128x128xf32, #tpu.memory_space<vmem_shared>>
      tpu.wait_dma2 semaphore(%run_scoped3A : memref<!tpu.dma_semaphore, #tpu.memory_space<semaphore_mem>>) src(%arg9 : memref<128x128xf32, #tpu.memory_space<vmem>>) dst(%dma_wait3A_32 : memref<128x128xf32, #tpu.memory_space<vmem_shared>>)
      tpu.yield
    }) : () -> ()
    %add3A_8 = arith.constant 512 : i32
    %add3A_9 = arith.addi %mul3A_0, %add3A_8 : i32
    "tpu.region"() ({
      %run_scoped3A = tpu.sem_alloc : memref<!tpu.dma_semaphore, #tpu.memory_space<semaphore_mem>>
      %dma_start3A = arith.constant 0 : i32
      %dma_start3A_27 = tpu.memref_slice %arg10[%add3A_9, %dma_start3A] : memref<10240x128xf32, #tpu.memory_space<vmem_shared>> -> memref<128x128xf32, #tpu.memory_space<vmem_shared>>
      %dma_start3A_28 = arith.constant 0 : i32
      %dma_start3A_29 = tpu.memref_slice %arg10[%add3A_9, %dma_start3A_28] : memref<10240x128xf32, #tpu.memory_space<vmem_shared>> -> memref<128x128xf32, #tpu.memory_space<vmem_shared>>
      tpu.enqueue_dma source(%arg9 : memref<128x128xf32, #tpu.memory_space<vmem>>) target(%dma_start3A_29 : memref<128x128xf32, #tpu.memory_space<vmem_shared>>) target_semaphore(%run_scoped3A : memref<!tpu.dma_semaphore, #tpu.memory_space<semaphore_mem>>)
      %dma_wait3A = arith.constant 0 : i32
      %dma_wait3A_30 = tpu.memref_slice %arg10[%add3A_9, %dma_wait3A] : memref<10240x128xf32, #tpu.memory_space<vmem_shared>> -> memref<128x128xf32, #tpu.memory_space<vmem_shared>>
      %dma_wait3A_31 = arith.constant 0 : i32
      %dma_wait3A_32 = tpu.memref_slice %arg10[%add3A_9, %dma_wait3A_31] : memref<10240x128xf32, #tpu.memory_space<vmem_shared>> -> memref<128x128xf32, #tpu.memory_space<vmem_shared>>
      tpu.wait_dma2 semaphore(%run_scoped3A : memref<!tpu.dma_semaphore, #tpu.memory_space<semaphore_mem>>) src(%arg9 : memref<128x128xf32, #tpu.memory_space<vmem>>) dst(%dma_wait3A_32 : memref<128x128xf32, #tpu.memory_space<vmem_shared>>)
      tpu.yield
    }) : () -> ()
    %barrier3A = arith.constant 0 : index
    tpu.barrier barrier_id(%barrier3A)
    %mul3A_10 = arith.constant 160000 : i32
    %mul3A_11 = arith.muli %arg0, %mul3A_10 : i32
    %scan3A = arith.constant 0 : i32
    %scan3A_12 = arith.constant 79 : i32
    %scan3A_13 = arith.addi %scan3A, %scan3A_12 : i32
    %scan3A_14 = arith.constant 1 : i32
    scf.for %scan3A_27 = %scan3A to %scan3A_13 step %scan3A_14  : i32 {
      %mul3A_28 = arith.constant 16 : i32
      %mul3A_29 = arith.muli %scan3A_27, %mul3A_28 : i32
      %add3A_30 = arith.addi %arg1, %mul3A_29 : i32
      %lt3A = arith.constant 1250 : i32
      %lt3A_31 = arith.cmpi slt, %add3A_30, %lt3A : i32
      %convert_element_type3A = arith.extui %lt3A_31 : i1 to i32
      %cond3A = arith.constant 0 : i32
      %cond3A_32 = arith.cmpi ne, %convert_element_type3A, %cond3A : i32
      scf.if %cond3A_32 {
        %mul3A_33 = arith.constant 128 : i32
        %mul3A_34 = arith.muli %add3A_30, %mul3A_33 : i32
        %add3A_35 = arith.addi %mul3A_11, %mul3A_34 : i32
        "tpu.region"() ({
          %run_scoped3A = tpu.sem_alloc : memref<!tpu.dma_semaphore, #tpu.memory_space<semaphore_mem>>
          %dma_start3A_40 = tpu.memref_slice %arg3[%add3A_35] : memref<320000xi32, #tpu.memory_space<hbm>> -> memref<128xi32, #tpu.memory_space<hbm>>
          %dma_start3A_41 = tpu.memref_slice %arg3[%add3A_35] : memref<320000xi32, #tpu.memory_space<hbm>> -> memref<128xi32, #tpu.memory_space<hbm>>
          tpu.enqueue_dma source(%dma_start3A_41 : memref<128xi32, #tpu.memory_space<hbm>>) target(%arg7 : memref<128xi32, #tpu.memory_space<vmem>>) target_semaphore(%run_scoped3A : memref<!tpu.dma_semaphore, #tpu.memory_space<semaphore_mem>>)
          %dma_wait3A_42 = tpu.memref_slice %arg3[%add3A_35] : memref<320000xi32, #tpu.memory_space<hbm>> -> memref<128xi32, #tpu.memory_space<hbm>>
          %dma_wait3A_43 = tpu.memref_slice %arg3[%add3A_35] : memref<320000xi32, #tpu.memory_space<hbm>> -> memref<128xi32, #tpu.memory_space<hbm>>
          tpu.wait_dma2 semaphore(%run_scoped3A : memref<!tpu.dma_semaphore, #tpu.memory_space<semaphore_mem>>) src(%dma_wait3A_43 : memref<128xi32, #tpu.memory_space<hbm>>) dst(%arg7 : memref<128xi32, #tpu.memory_space<vmem>>)
          tpu.yield
        }) : () -> ()
        "tpu.region"() ({
          %run_scoped3A = tpu.sem_alloc : memref<!tpu.dma_semaphore, #tpu.memory_space<semaphore_mem>>
          %dma_start3A_40 = tpu.memref_slice %arg4[%add3A_35] : memref<320000xi32, #tpu.memory_space<hbm>> -> memref<128xi32, #tpu.memory_space<hbm>>
          %dma_start3A_41 = tpu.memref_slice %arg4[%add3A_35] : memref<320000xi32, #tpu.memory_space<hbm>> -> memref<128xi32, #tpu.memory_space<hbm>>
          tpu.enqueue_dma source(%dma_start3A_41 : memref<128xi32, #tpu.memory_space<hbm>>) target(%arg8 : memref<128xi32, #tpu.memory_space<vmem>>) target_semaphore(%run_scoped3A : memref<!tpu.dma_semaphore, #tpu.memory_space<semaphore_mem>>)
          %dma_wait3A_42 = tpu.memref_slice %arg4[%add3A_35] : memref<320000xi32, #tpu.memory_space<hbm>> -> memref<128xi32, #tpu.memory_space<hbm>>
          %dma_wait3A_43 = tpu.memref_slice %arg4[%add3A_35] : memref<320000xi32, #tpu.memory_space<hbm>> -> memref<128xi32, #tpu.memory_space<hbm>>
          tpu.wait_dma2 semaphore(%run_scoped3A : memref<!tpu.dma_semaphore, #tpu.memory_space<semaphore_mem>>) src(%dma_wait3A_43 : memref<128xi32, #tpu.memory_space<hbm>>) dst(%arg8 : memref<128xi32, #tpu.memory_space<vmem>>)
          tpu.yield
        }) : () -> ()
        %dma_start3A = arith.constant 0 : i32
        %dma_start3A_36 = arith.constant 0 : i32
        %dma_start3A_37 = tpu.memref_slice %arg2[%dma_start3A, %dma_start3A_36] : memref<10000x128xf32, #tpu.memory_space<hbm>> -> memref<10000x128xf32, #tpu.memory_space<hbm>>
        tpu.enqueue_indirect_dma source(%dma_start3A_37 : memref<10000x128xf32, #tpu.memory_space<hbm>>) target(%arg9 : memref<128x128xf32, #tpu.memory_space<vmem>>) offsets(%arg7 : memref<128xi32, #tpu.memory_space<vmem>>) semaphore(%arg11 : memref<!tpu.dma_semaphore, #tpu.memory_space<semaphore_mem>>)
        %dma_wait3A = arith.constant 0 : i32
        %dma_wait3A_38 = arith.constant 0 : i32
        %dma_wait3A_39 = tpu.memref_slice %arg2[%dma_wait3A, %dma_wait3A_38] : memref<10000x128xf32, #tpu.memory_space<hbm>> -> memref<10000x128xf32, #tpu.memory_space<hbm>>
        tpu.wait_indirect_dma semaphore(%arg11 : memref<!tpu.dma_semaphore, #tpu.memory_space<semaphore_mem>>) src(%dma_wait3A_39 : memref<10000x128xf32, #tpu.memory_space<hbm>>) dst(%arg9 : memref<128x128xf32, #tpu.memory_space<vmem>>)
        "tpu.region"() ({
          %run_scoped3A = tpu.sem_alloc : memref<!tpu.dma_semaphore, #tpu.memory_space<semaphore_mem>>
          %dma_start3A_40 = arith.constant 0 : i32
          %dma_start3A_41 = arith.constant 0 : i32
          %dma_start3A_42 = tpu.memref_slice %arg10[%dma_start3A_40, %dma_start3A_41] : memref<10240x128xf32, #tpu.memory_space<vmem_shared>> -> memref<10240x128xf32, #tpu.memory_space<vmem_shared>>
          tpu.enqueue_indirect_dma source(%arg9 : memref<128x128xf32, #tpu.memory_space<vmem>>) target(%dma_start3A_42 : memref<10240x128xf32, #tpu.memory_space<vmem_shared>>) offsets(%arg8 : memref<128xi32, #tpu.memory_space<vmem>>) semaphore(%run_scoped3A : memref<!tpu.dma_semaphore, #tpu.memory_space<semaphore_mem>>) {add = true}
          %dma_wait3A_43 = arith.constant 0 : i32
          %dma_wait3A_44 = arith.constant 0 : i32
          %dma_wait3A_45 = tpu.memref_slice %arg10[%dma_wait3A_43, %dma_wait3A_44] : memref<10240x128xf32, #tpu.memory_space<vmem_shared>> -> memref<10240x128xf32, #tpu.memory_space<vmem_shared>>
          tpu.wait_indirect_dma semaphore(%run_scoped3A : memref<!tpu.dma_semaphore, #tpu.memory_space<semaphore_mem>>) src(%arg9 : memref<128x128xf32, #tpu.memory_space<vmem>>) dst(%dma_wait3A_45 : memref<10240x128xf32, #tpu.memory_space<vmem_shared>>)
          tpu.yield
        }) : () -> ()
      } else {
      }
    }
    %scan3A_15 = arith.constant 79 : i32
    %barrier3A_16 = arith.constant 0 : index
    tpu.barrier barrier_id(%barrier3A_16)
    %add3A_17 = arith.constant 0 : i32
    %add3A_18 = arith.addi %mul3A_0, %add3A_17 : i32
    "tpu.region"() ({
      %run_scoped3A = tpu.sem_alloc : memref<!tpu.dma_semaphore, #tpu.memory_space<semaphore_mem>>
      %dma_start3A = arith.constant 0 : i32
      %dma_start3A_27 = tpu.memref_slice %arg10[%add3A_18, %dma_start3A] : memref<10240x128xf32, #tpu.memory_space<vmem_shared>> -> memref<128x128xf32, #tpu.memory_space<vmem_shared>>
      %dma_start3A_28 = arith.constant 0 : i32
      %dma_start3A_29 = tpu.memref_slice %arg10[%add3A_18, %dma_start3A_28] : memref<10240x128xf32, #tpu.memory_space<vmem_shared>> -> memref<128x128xf32, #tpu.memory_space<vmem_shared>>
      tpu.enqueue_dma source(%dma_start3A_29 : memref<128x128xf32, #tpu.memory_space<vmem_shared>>) target(%arg9 : memref<128x128xf32, #tpu.memory_space<vmem>>) target_semaphore(%run_scoped3A : memref<!tpu.dma_semaphore, #tpu.memory_space<semaphore_mem>>)
      %dma_wait3A = arith.constant 0 : i32
      %dma_wait3A_30 = tpu.memref_slice %arg10[%add3A_18, %dma_wait3A] : memref<10240x128xf32, #tpu.memory_space<vmem_shared>> -> memref<128x128xf32, #tpu.memory_space<vmem_shared>>
      %dma_wait3A_31 = arith.constant 0 : i32
      %dma_wait3A_32 = tpu.memref_slice %arg10[%add3A_18, %dma_wait3A_31] : memref<10240x128xf32, #tpu.memory_space<vmem_shared>> -> memref<128x128xf32, #tpu.memory_space<vmem_shared>>
      tpu.wait_dma2 semaphore(%run_scoped3A : memref<!tpu.dma_semaphore, #tpu.memory_space<semaphore_mem>>) src(%dma_wait3A_32 : memref<128x128xf32, #tpu.memory_space<vmem_shared>>) dst(%arg9 : memref<128x128xf32, #tpu.memory_space<vmem>>)
      tpu.yield
    }) : () -> ()
    "tpu.region"() ({
      %run_scoped3A = tpu.sem_alloc : memref<!tpu.dma_semaphore, #tpu.memory_space<semaphore_mem>>
      %dma_start3A = arith.constant 0 : i32
      %dma_start3A_27 = tpu.memref_slice %arg6[%arg0, %add3A_18, %dma_start3A] : memref<2x10240x128xf32, #tpu.memory_space<hbm>> -> memref<1x128x128xf32, #tpu.memory_space<hbm>>
      %dma_start3A_28 = tpu.memref_squeeze %dma_start3A_27 : memref<1x128x128xf32, #tpu.memory_space<hbm>> -> memref<128x128xf32, #tpu.memory_space<hbm>>
      %dma_start3A_29 = arith.constant 0 : i32
      %dma_start3A_30 = tpu.memref_slice %arg6[%arg0, %add3A_18, %dma_start3A_29] : memref<2x10240x128xf32, #tpu.memory_space<hbm>> -> memref<1x128x128xf32, #tpu.memory_space<hbm>>
      %dma_start3A_31 = tpu.memref_squeeze %dma_start3A_30 : memref<1x128x128xf32, #tpu.memory_space<hbm>> -> memref<128x128xf32, #tpu.memory_space<hbm>>
      tpu.enqueue_dma source(%arg9 : memref<128x128xf32, #tpu.memory_space<vmem>>) target(%dma_start3A_31 : memref<128x128xf32, #tpu.memory_space<hbm>>) target_semaphore(%run_scoped3A : memref<!tpu.dma_semaphore, #tpu.memory_space<semaphore_mem>>)
      %dma_wait3A = arith.constant 0 : i32
      %dma_wait3A_32 = tpu.memref_slice %arg6[%arg0, %add3A_18, %dma_wait3A] : memref<2x10240x128xf32, #tpu.memory_space<hbm>> -> memref<1x128x128xf32, #tpu.memory_space<hbm>>
      %dma_wait3A_33 = tpu.memref_squeeze %dma_wait3A_32 : memref<1x128x128xf32, #tpu.memory_space<hbm>> -> memref<128x128xf32, #tpu.memory_space<hbm>>
      %dma_wait3A_34 = arith.constant 0 : i32
      %dma_wait3A_35 = tpu.memref_slice %arg6[%arg0, %add3A_18, %dma_wait3A_34] : memref<2x10240x128xf32, #tpu.memory_space<hbm>> -> memref<1x128x128xf32, #tpu.memory_space<hbm>>
      %dma_wait3A_36 = tpu.memref_squeeze %dma_wait3A_35 : memref<1x128x128xf32, #tpu.memory_space<hbm>> -> memref<128x128xf32, #tpu.memory_space<hbm>>
      tpu.wait_dma2 semaphore(%run_scoped3A : memref<!tpu.dma_semaphore, #tpu.memory_space<semaphore_mem>>) src(%arg9 : memref<128x128xf32, #tpu.memory_space<vmem>>) dst(%dma_wait3A_36 : memref<128x128xf32, #tpu.memory_space<hbm>>)
      tpu.yield
    }) : () -> ()
    %add3A_19 = arith.constant 128 : i32
    %add3A_20 = arith.addi %mul3A_0, %add3A_19 : i32
    "tpu.region"() ({
      %run_scoped3A = tpu.sem_alloc : memref<!tpu.dma_semaphore, #tpu.memory_space<semaphore_mem>>
      %dma_start3A = arith.constant 0 : i32
      %dma_start3A_27 = tpu.memref_slice %arg10[%add3A_20, %dma_start3A] : memref<10240x128xf32, #tpu.memory_space<vmem_shared>> -> memref<128x128xf32, #tpu.memory_space<vmem_shared>>
      %dma_start3A_28 = arith.constant 0 : i32
      %dma_start3A_29 = tpu.memref_slice %arg10[%add3A_20, %dma_start3A_28] : memref<10240x128xf32, #tpu.memory_space<vmem_shared>> -> memref<128x128xf32, #tpu.memory_space<vmem_shared>>
      tpu.enqueue_dma source(%dma_start3A_29 : memref<128x128xf32, #tpu.memory_space<vmem_shared>>) target(%arg9 : memref<128x128xf32, #tpu.memory_space<vmem>>) target_semaphore(%run_scoped3A : memref<!tpu.dma_semaphore, #tpu.memory_space<semaphore_mem>>)
      %dma_wait3A = arith.constant 0 : i32
      %dma_wait3A_30 = tpu.memref_slice %arg10[%add3A_20, %dma_wait3A] : memref<10240x128xf32, #tpu.memory_space<vmem_shared>> -> memref<128x128xf32, #tpu.memory_space<vmem_shared>>
      %dma_wait3A_31 = arith.constant 0 : i32
      %dma_wait3A_32 = tpu.memref_slice %arg10[%add3A_20, %dma_wait3A_31] : memref<10240x128xf32, #tpu.memory_space<vmem_shared>> -> memref<128x128xf32, #tpu.memory_space<vmem_shared>>
      tpu.wait_dma2 semaphore(%run_scoped3A : memref<!tpu.dma_semaphore, #tpu.memory_space<semaphore_mem>>) src(%dma_wait3A_32 : memref<128x128xf32, #tpu.memory_space<vmem_shared>>) dst(%arg9 : memref<128x128xf32, #tpu.memory_space<vmem>>)
      tpu.yield
    }) : () -> ()
    "tpu.region"() ({
      %run_scoped3A = tpu.sem_alloc : memref<!tpu.dma_semaphore, #tpu.memory_space<semaphore_mem>>
      %dma_start3A = arith.constant 0 : i32
      %dma_start3A_27 = tpu.memref_slice %arg6[%arg0, %add3A_20, %dma_start3A] : memref<2x10240x128xf32, #tpu.memory_space<hbm>> -> memref<1x128x128xf32, #tpu.memory_space<hbm>>
      %dma_start3A_28 = tpu.memref_squeeze %dma_start3A_27 : memref<1x128x128xf32, #tpu.memory_space<hbm>> -> memref<128x128xf32, #tpu.memory_space<hbm>>
      %dma_start3A_29 = arith.constant 0 : i32
      %dma_start3A_30 = tpu.memref_slice %arg6[%arg0, %add3A_20, %dma_start3A_29] : memref<2x10240x128xf32, #tpu.memory_space<hbm>> -> memref<1x128x128xf32, #tpu.memory_space<hbm>>
      %dma_start3A_31 = tpu.memref_squeeze %dma_start3A_30 : memref<1x128x128xf32, #tpu.memory_space<hbm>> -> memref<128x128xf32, #tpu.memory_space<hbm>>
      tpu.enqueue_dma source(%arg9 : memref<128x128xf32, #tpu.memory_space<vmem>>) target(%dma_start3A_31 : memref<128x128xf32, #tpu.memory_space<hbm>>) target_semaphore(%run_scoped3A : memref<!tpu.dma_semaphore, #tpu.memory_space<semaphore_mem>>)
      %dma_wait3A = arith.constant 0 : i32
      %dma_wait3A_32 = tpu.memref_slice %arg6[%arg0, %add3A_20, %dma_wait3A] : memref<2x10240x128xf32, #tpu.memory_space<hbm>> -> memref<1x128x128xf32, #tpu.memory_space<hbm>>
      %dma_wait3A_33 = tpu.memref_squeeze %dma_wait3A_32 : memref<1x128x128xf32, #tpu.memory_space<hbm>> -> memref<128x128xf32, #tpu.memory_space<hbm>>
      %dma_wait3A_34 = arith.constant 0 : i32
      %dma_wait3A_35 = tpu.memref_slice %arg6[%arg0, %add3A_20, %dma_wait3A_34] : memref<2x10240x128xf32, #tpu.memory_space<hbm>> -> memref<1x128x128xf32, #tpu.memory_space<hbm>>
      %dma_wait3A_36 = tpu.memref_squeeze %dma_wait3A_35 : memref<1x128x128xf32, #tpu.memory_space<hbm>> -> memref<128x128xf32, #tpu.memory_space<hbm>>
      tpu.wait_dma2 semaphore(%run_scoped3A : memref<!tpu.dma_semaphore, #tpu.memory_space<semaphore_mem>>) src(%arg9 : memref<128x128xf32, #tpu.memory_space<vmem>>) dst(%dma_wait3A_36 : memref<128x128xf32, #tpu.memory_space<hbm>>)
      tpu.yield
    }) : () -> ()
    %add3A_21 = arith.constant 256 : i32
    %add3A_22 = arith.addi %mul3A_0, %add3A_21 : i32
    "tpu.region"() ({
      %run_scoped3A = tpu.sem_alloc : memref<!tpu.dma_semaphore, #tpu.memory_space<semaphore_mem>>
      %dma_start3A = arith.constant 0 : i32
      %dma_start3A_27 = tpu.memref_slice %arg10[%add3A_22, %dma_start3A] : memref<10240x128xf32, #tpu.memory_space<vmem_shared>> -> memref<128x128xf32, #tpu.memory_space<vmem_shared>>
      %dma_start3A_28 = arith.constant 0 : i32
      %dma_start3A_29 = tpu.memref_slice %arg10[%add3A_22, %dma_start3A_28] : memref<10240x128xf32, #tpu.memory_space<vmem_shared>> -> memref<128x128xf32, #tpu.memory_space<vmem_shared>>
      tpu.enqueue_dma source(%dma_start3A_29 : memref<128x128xf32, #tpu.memory_space<vmem_shared>>) target(%arg9 : memref<128x128xf32, #tpu.memory_space<vmem>>) target_semaphore(%run_scoped3A : memref<!tpu.dma_semaphore, #tpu.memory_space<semaphore_mem>>)
      %dma_wait3A = arith.constant 0 : i32
      %dma_wait3A_30 = tpu.memref_slice %arg10[%add3A_22, %dma_wait3A] : memref<10240x128xf32, #tpu.memory_space<vmem_shared>> -> memref<128x128xf32, #tpu.memory_space<vmem_shared>>
      %dma_wait3A_31 = arith.constant 0 : i32
      %dma_wait3A_32 = tpu.memref_slice %arg10[%add3A_22, %dma_wait3A_31] : memref<10240x128xf32, #tpu.memory_space<vmem_shared>> -> memref<128x128xf32, #tpu.memory_space<vmem_shared>>
      tpu.wait_dma2 semaphore(%run_scoped3A : memref<!tpu.dma_semaphore, #tpu.memory_space<semaphore_mem>>) src(%dma_wait3A_32 : memref<128x128xf32, #tpu.memory_space<vmem_shared>>) dst(%arg9 : memref<128x128xf32, #tpu.memory_space<vmem>>)
      tpu.yield
    }) : () -> ()
    "tpu.region"() ({
      %run_scoped3A = tpu.sem_alloc : memref<!tpu.dma_semaphore, #tpu.memory_space<semaphore_mem>>
      %dma_start3A = arith.constant 0 : i32
      %dma_start3A_27 = tpu.memref_slice %arg6[%arg0, %add3A_22, %dma_start3A] : memref<2x10240x128xf32, #tpu.memory_space<hbm>> -> memref<1x128x128xf32, #tpu.memory_space<hbm>>
      %dma_start3A_28 = tpu.memref_squeeze %dma_start3A_27 : memref<1x128x128xf32, #tpu.memory_space<hbm>> -> memref<128x128xf32, #tpu.memory_space<hbm>>
      %dma_start3A_29 = arith.constant 0 : i32
      %dma_start3A_30 = tpu.memref_slice %arg6[%arg0, %add3A_22, %dma_start3A_29] : memref<2x10240x128xf32, #tpu.memory_space<hbm>> -> memref<1x128x128xf32, #tpu.memory_space<hbm>>
      %dma_start3A_31 = tpu.memref_squeeze %dma_start3A_30 : memref<1x128x128xf32, #tpu.memory_space<hbm>> -> memref<128x128xf32, #tpu.memory_space<hbm>>
      tpu.enqueue_dma source(%arg9 : memref<128x128xf32, #tpu.memory_space<vmem>>) target(%dma_start3A_31 : memref<128x128xf32, #tpu.memory_space<hbm>>) target_semaphore(%run_scoped3A : memref<!tpu.dma_semaphore, #tpu.memory_space<semaphore_mem>>)
      %dma_wait3A = arith.constant 0 : i32
      %dma_wait3A_32 = tpu.memref_slice %arg6[%arg0, %add3A_22, %dma_wait3A] : memref<2x10240x128xf32, #tpu.memory_space<hbm>> -> memref<1x128x128xf32, #tpu.memory_space<hbm>>
      %dma_wait3A_33 = tpu.memref_squeeze %dma_wait3A_32 : memref<1x128x128xf32, #tpu.memory_space<hbm>> -> memref<128x128xf32, #tpu.memory_space<hbm>>
      %dma_wait3A_34 = arith.constant 0 : i32
      %dma_wait3A_35 = tpu.memref_slice %arg6[%arg0, %add3A_22, %dma_wait3A_34] : memref<2x10240x128xf32, #tpu.memory_space<hbm>> -> memref<1x128x128xf32, #tpu.memory_space<hbm>>
      %dma_wait3A_36 = tpu.memref_squeeze %dma_wait3A_35 : memref<1x128x128xf32, #tpu.memory_space<hbm>> -> memref<128x128xf32, #tpu.memory_space<hbm>>
      tpu.wait_dma2 semaphore(%run_scoped3A : memref<!tpu.dma_semaphore, #tpu.memory_space<semaphore_mem>>) src(%arg9 : memref<128x128xf32, #tpu.memory_space<vmem>>) dst(%dma_wait3A_36 : memref<128x128xf32, #tpu.memory_space<hbm>>)
      tpu.yield
    }) : () -> ()
    %add3A_23 = arith.constant 384 : i32
    %add3A_24 = arith.addi %mul3A_0, %add3A_23 : i32
    "tpu.region"() ({
      %run_scoped3A = tpu.sem_alloc : memref<!tpu.dma_semaphore, #tpu.memory_space<semaphore_mem>>
      %dma_start3A = arith.constant 0 : i32
      %dma_start3A_27 = tpu.memref_slice %arg10[%add3A_24, %dma_start3A] : memref<10240x128xf32, #tpu.memory_space<vmem_shared>> -> memref<128x128xf32, #tpu.memory_space<vmem_shared>>
      %dma_start3A_28 = arith.constant 0 : i32
      %dma_start3A_29 = tpu.memref_slice %arg10[%add3A_24, %dma_start3A_28] : memref<10240x128xf32, #tpu.memory_space<vmem_shared>> -> memref<128x128xf32, #tpu.memory_space<vmem_shared>>
      tpu.enqueue_dma source(%dma_start3A_29 : memref<128x128xf32, #tpu.memory_space<vmem_shared>>) target(%arg9 : memref<128x128xf32, #tpu.memory_space<vmem>>) target_semaphore(%run_scoped3A : memref<!tpu.dma_semaphore, #tpu.memory_space<semaphore_mem>>)
      %dma_wait3A = arith.constant 0 : i32
      %dma_wait3A_30 = tpu.memref_slice %arg10[%add3A_24, %dma_wait3A] : memref<10240x128xf32, #tpu.memory_space<vmem_shared>> -> memref<128x128xf32, #tpu.memory_space<vmem_shared>>
      %dma_wait3A_31 = arith.constant 0 : i32
      %dma_wait3A_32 = tpu.memref_slice %arg10[%add3A_24, %dma_wait3A_31] : memref<10240x128xf32, #tpu.memory_space<vmem_shared>> -> memref<128x128xf32, #tpu.memory_space<vmem_shared>>
      tpu.wait_dma2 semaphore(%run_scoped3A : memref<!tpu.dma_semaphore, #tpu.memory_space<semaphore_mem>>) src(%dma_wait3A_32 : memref<128x128xf32, #tpu.memory_space<vmem_shared>>) dst(%arg9 : memref<128x128xf32, #tpu.memory_space<vmem>>)
      tpu.yield
    }) : () -> ()
    "tpu.region"() ({
      %run_scoped3A = tpu.sem_alloc : memref<!tpu.dma_semaphore, #tpu.memory_space<semaphore_mem>>
      %dma_start3A = arith.constant 0 : i32
      %dma_start3A_27 = tpu.memref_slice %arg6[%arg0, %add3A_24, %dma_start3A] : memref<2x10240x128xf32, #tpu.memory_space<hbm>> -> memref<1x128x128xf32, #tpu.memory_space<hbm>>
      %dma_start3A_28 = tpu.memref_squeeze %dma_start3A_27 : memref<1x128x128xf32, #tpu.memory_space<hbm>> -> memref<128x128xf32, #tpu.memory_space<hbm>>
      %dma_start3A_29 = arith.constant 0 : i32
      %dma_start3A_30 = tpu.memref_slice %arg6[%arg0, %add3A_24, %dma_start3A_29] : memref<2x10240x128xf32, #tpu.memory_space<hbm>> -> memref<1x128x128xf32, #tpu.memory_space<hbm>>
      %dma_start3A_31 = tpu.memref_squeeze %dma_start3A_30 : memref<1x128x128xf32, #tpu.memory_space<hbm>> -> memref<128x128xf32, #tpu.memory_space<hbm>>
      tpu.enqueue_dma source(%arg9 : memref<128x128xf32, #tpu.memory_space<vmem>>) target(%dma_start3A_31 : memref<128x128xf32, #tpu.memory_space<hbm>>) target_semaphore(%run_scoped3A : memref<!tpu.dma_semaphore, #tpu.memory_space<semaphore_mem>>)
      %dma_wait3A = arith.constant 0 : i32
      %dma_wait3A_32 = tpu.memref_slice %arg6[%arg0, %add3A_24, %dma_wait3A] : memref<2x10240x128xf32, #tpu.memory_space<hbm>> -> memref<1x128x128xf32, #tpu.memory_space<hbm>>
      %dma_wait3A_33 = tpu.memref_squeeze %dma_wait3A_32 : memref<1x128x128xf32, #tpu.memory_space<hbm>> -> memref<128x128xf32, #tpu.memory_space<hbm>>
      %dma_wait3A_34 = arith.constant 0 : i32
      %dma_wait3A_35 = tpu.memref_slice %arg6[%arg0, %add3A_24, %dma_wait3A_34] : memref<2x10240x128xf32, #tpu.memory_space<hbm>> -> memref<1x128x128xf32, #tpu.memory_space<hbm>>
      %dma_wait3A_36 = tpu.memref_squeeze %dma_wait3A_35 : memref<1x128x128xf32, #tpu.memory_space<hbm>> -> memref<128x128xf32, #tpu.memory_space<hbm>>
      tpu.wait_dma2 semaphore(%run_scoped3A : memref<!tpu.dma_semaphore, #tpu.memory_space<semaphore_mem>>) src(%arg9 : memref<128x128xf32, #tpu.memory_space<vmem>>) dst(%dma_wait3A_36 : memref<128x128xf32, #tpu.memory_space<hbm>>)
      tpu.yield
    }) : () -> ()
    %add3A_25 = arith.constant 512 : i32
    %add3A_26 = arith.addi %mul3A_0, %add3A_25 : i32
    "tpu.region"() ({
      %run_scoped3A = tpu.sem_alloc : memref<!tpu.dma_semaphore, #tpu.memory_space<semaphore_mem>>
      %dma_start3A = arith.constant 0 : i32
      %dma_start3A_27 = tpu.memref_slice %arg10[%add3A_26, %dma_start3A] : memref<10240x128xf32, #tpu.memory_space<vmem_shared>> -> memref<128x128xf32, #tpu.memory_space<vmem_shared>>
      %dma_start3A_28 = arith.constant 0 : i32
      %dma_start3A_29 = tpu.memref_slice %arg10[%add3A_26, %dma_start3A_28] : memref<10240x128xf32, #tpu.memory_space<vmem_shared>> -> memref<128x128xf32, #tpu.memory_space<vmem_shared>>
      tpu.enqueue_dma source(%dma_start3A_29 : memref<128x128xf32, #tpu.memory_space<vmem_shared>>) target(%arg9 : memref<128x128xf32, #tpu.memory_space<vmem>>) target_semaphore(%run_scoped3A : memref<!tpu.dma_semaphore, #tpu.memory_space<semaphore_mem>>)
      %dma_wait3A = arith.constant 0 : i32
      %dma_wait3A_30 = tpu.memref_slice %arg10[%add3A_26, %dma_wait3A] : memref<10240x128xf32, #tpu.memory_space<vmem_shared>> -> memref<128x128xf32, #tpu.memory_space<vmem_shared>>
      %dma_wait3A_31 = arith.constant 0 : i32
      %dma_wait3A_32 = tpu.memref_slice %arg10[%add3A_26, %dma_wait3A_31] : memref<10240x128xf32, #tpu.memory_space<vmem_shared>> -> memref<128x128xf32, #tpu.memory_space<vmem_shared>>
      tpu.wait_dma2 semaphore(%run_scoped3A : memref<!tpu.dma_semaphore, #tpu.memory_space<semaphore_mem>>) src(%dma_wait3A_32 : memref<128x128xf32, #tpu.memory_space<vmem_shared>>) dst(%arg9 : memref<128x128xf32, #tpu.memory_space<vmem>>)
      tpu.yield
    }) : () -> ()
    "tpu.region"() ({
      %run_scoped3A = tpu.sem_alloc : memref<!tpu.dma_semaphore, #tpu.memory_space<semaphore_mem>>
      %dma_start3A = arith.constant 0 : i32
      %dma_start3A_27 = tpu.memref_slice %arg6[%arg0, %add3A_26, %dma_start3A] : memref<2x10240x128xf32, #tpu.memory_space<hbm>> -> memref<1x128x128xf32, #tpu.memory_space<hbm>>
      %dma_start3A_28 = tpu.memref_squeeze %dma_start3A_27 : memref<1x128x128xf32, #tpu.memory_space<hbm>> -> memref<128x128xf32, #tpu.memory_space<hbm>>
      %dma_start3A_29 = arith.constant 0 : i32
      %dma_start3A_30 = tpu.memref_slice %arg6[%arg0, %add3A_26, %dma_start3A_29] : memref<2x10240x128xf32, #tpu.memory_space<hbm>> -> memref<1x128x128xf32, #tpu.memory_space<hbm>>
      %dma_start3A_31 = tpu.memref_squeeze %dma_start3A_30 : memref<1x128x128xf32, #tpu.memory_space<hbm>> -> memref<128x128xf32, #tpu.memory_space<hbm>>
      tpu.enqueue_dma source(%arg9 : memref<128x128xf32, #tpu.memory_space<vmem>>) target(%dma_start3A_31 : memref<128x128xf32, #tpu.memory_space<hbm>>) target_semaphore(%run_scoped3A : memref<!tpu.dma_semaphore, #tpu.memory_space<semaphore_mem>>)
      %dma_wait3A = arith.constant 0 : i32
      %dma_wait3A_32 = tpu.memref_slice %arg6[%arg0, %add3A_26, %dma_wait3A] : memref<2x10240x128xf32, #tpu.memory_space<hbm>> -> memref<1x128x128xf32, #tpu.memory_space<hbm>>
      %dma_wait3A_33 = tpu.memref_squeeze %dma_wait3A_32 : memref<1x128x128xf32, #tpu.memory_space<hbm>> -> memref<128x128xf32, #tpu.memory_space<hbm>>
      %dma_wait3A_34 = arith.constant 0 : i32
      %dma_wait3A_35 = tpu.memref_slice %arg6[%arg0, %add3A_26, %dma_wait3A_34] : memref<2x10240x128xf32, #tpu.memory_space<hbm>> -> memref<1x128x128xf32, #tpu.memory_space<hbm>>
      %dma_wait3A_36 = tpu.memref_squeeze %dma_wait3A_35 : memref<1x128x128xf32, #tpu.memory_space<hbm>> -> memref<128x128xf32, #tpu.memory_space<hbm>>
      tpu.wait_dma2 semaphore(%run_scoped3A : memref<!tpu.dma_semaphore, #tpu.memory_space<semaphore_mem>>) src(%arg9 : memref<128x128xf32, #tpu.memory_space<vmem>>) dst(%dma_wait3A_36 : memref<128x128xf32, #tpu.memory_space<hbm>>)
      tpu.yield
    }) : () -> ()
    return
  }
}

module attributes {stable_mosaic.version = 14 : i64} {
  func.func @body(%arg0: i32, %arg1: memref<1000x128xf32, #tpu.memory_space<vmem>>, %arg2: memref<2x1000x128xf32, #tpu.memory_space<vmem>>, %arg3: memref<128x128xf32, #tpu.memory_space<vmem>>, %arg4: memref<16x128xf32, #tpu.memory_space<vmem>>, %arg5: memref<1x128xf32, #tpu.memory_space<vmem>>, %arg6: memref<1000x128xf32, #tpu.memory_space<vmem>>, %arg7: memref<1000x128xf32, #tpu.memory_space<vmem>>) attributes {dimension_semantics = [#tpu.dimension_semantics<arbitrary>], iteration_bounds = array<i64: 10>, scalar_prefetch = 0 : i64, scratch_operands = 0 : i64, tpu.core_type = #tpu.core_type<tc>, window_params = [{transform_indices = @transform_0, window_bounds = array<i64: 1000, 128>}, {transform_indices = @transform_1, window_bounds = array<i64: 2, 1000, 128>}, {pipeline_mode = #tpu.pipeline_mode<synchronous>, transform_indices = @transform_2, window_bounds = array<i64: 128, 128>}, {pipeline_mode = #tpu.pipeline_mode<synchronous>, transform_indices = @transform_3, window_bounds = array<i64: 16, 128>}, {pipeline_mode = #tpu.pipeline_mode<synchronous>, transform_indices = @transform_4, window_bounds = array<i64: 1, 128>}, {transform_indices = @transform_5, window_bounds = array<i64: 1000, 128>}, {transform_indices = @transform_6, window_bounds = array<i64: 1000, 128>}]} {
    %get3A = arith.constant 0 : index
    %get3A_0 = arith.constant 0 : index
    %get3A_1 = arith.constant 0 : index
    %get3A_2 = vector.load %arg2[%get3A, %get3A_0, %get3A_1] : memref<2x1000x128xf32, #tpu.memory_space<vmem>>, vector<2x1000x128xf32>
    %slice3A = vector.extract_strided_slice %get3A_2 {offsets = [1, 0, 16], sizes = [1, 1000, 1], strides = [1, 1, 1]} : vector<2x1000x128xf32> to vector<1x1000x1xf32>
    %squeeze3A = vector.shape_cast %slice3A : vector<1x1000x1xf32> to vector<1000x1xf32>
    %max3A = arith.constant 1.000000e+00 : f32
    %max3A_3 = vector.broadcast %max3A : f32 to vector<1000x1xf32>
    %max3A_4 = arith.maximumf %squeeze3A, %max3A_3 : vector<1000x1xf32>
    %rsqrt3A = math.rsqrt %max3A_4 : vector<1000x1xf32>
    %get3A_5 = arith.constant 0 : index
    %get3A_6 = arith.constant 0 : index
    %get3A_7 = vector.load %arg1[%get3A_5, %get3A_6] : memref<1000x128xf32, #tpu.memory_space<vmem>>, vector<1000x128xf32>
    %get3A_8 = arith.constant 0 : index
    %get3A_9 = arith.constant 0 : index
    %get3A_10 = vector.load %arg3[%get3A_8, %get3A_9] : memref<128x128xf32, #tpu.memory_space<vmem>>, vector<128x128xf32>
    %dot_general3A = arith.constant dense<0.000000e+00> : vector<1000x128xf32>
    %dot_general3A_11 = tpu.matmul %get3A_7, %get3A_10, %dot_general3A {dimension_numbers = #tpu.dot_dimension_numbers<[1], [0], [0], [1], [0, 0, 1, 1], [], []>, transpose_lhs_hint = false} : vector<1000x128xf32>, vector<128x128xf32>, vector<1000x128xf32> -> vector<1000x128xf32>
    %mul3A = vector.broadcast %rsqrt3A : vector<1000x1xf32> to vector<1000x128xf32>
    %mul3A_12 = arith.mulf %dot_general3A_11, %mul3A : vector<1000x128xf32>
    %swap3A = arith.constant 0 : index
    %swap3A_13 = arith.constant 0 : index
    %swap3A_14 = vector.load %arg6[%swap3A, %swap3A_13] : memref<1000x128xf32, #tpu.memory_space<vmem>>, vector<1000x128xf32>
    tpu.vector_store %arg6[%swap3A, %swap3A_13], %mul3A_12 {strides = array<i32>} : memref<1000x128xf32, #tpu.memory_space<vmem>>, vector<1000x128xf32>,
    %slice3A_15 = vector.extract_strided_slice %get3A_2 {offsets = [0, 0, 0], sizes = [1, 1000, 16], strides = [1, 1, 1]} : vector<2x1000x128xf32> to vector<1x1000x16xf32>
    %squeeze3A_16 = vector.shape_cast %slice3A_15 : vector<1x1000x16xf32> to vector<1000x16xf32>
    %slice3A_17 = vector.extract_strided_slice %get3A_2 {offsets = [1, 0, 0], sizes = [1, 1000, 16], strides = [1, 1, 1]} : vector<2x1000x128xf32> to vector<1x1000x16xf32>
    %squeeze3A_18 = vector.shape_cast %slice3A_17 : vector<1x1000x16xf32> to vector<1000x16xf32>
    %add3A = arith.addf %squeeze3A_16, %squeeze3A_18 : vector<1000x16xf32>
    %get3A_19 = arith.constant 0 : index
    %get3A_20 = arith.constant 0 : index
    %get3A_21 = vector.load %arg4[%get3A_19, %get3A_20] : memref<16x128xf32, #tpu.memory_space<vmem>>, vector<16x128xf32>
    %dot_general3A_22 = arith.constant dense<0.000000e+00> : vector<1000x128xf32>
    %dot_general3A_23 = tpu.matmul %add3A, %get3A_21, %dot_general3A_22 {dimension_numbers = #tpu.dot_dimension_numbers<[1], [0], [0], [1], [0, 0, 1, 1], [], []>, transpose_lhs_hint = false} : vector<1000x16xf32>, vector<16x128xf32>, vector<1000x128xf32> -> vector<1000x128xf32>
    %get3A_24 = arith.constant 0 : index
    %get3A_25 = arith.constant 0 : index
    %get3A_26 = vector.load %arg5[%get3A_24, %get3A_25] : memref<1x128xf32, #tpu.memory_space<vmem>>, vector<1x128xf32>
    %add3A_27 = vector.broadcast %get3A_26 : vector<1x128xf32> to vector<1000x128xf32>
    %add3A_28 = arith.addf %dot_general3A_23, %add3A_27 : vector<1000x128xf32>
    %max3A_29 = arith.constant 0.000000e+00 : f32
    %max3A_30 = vector.broadcast %max3A_29 : f32 to vector<1000x128xf32>
    %max3A_31 = arith.maximumf %add3A_28, %max3A_30 : vector<1000x128xf32>
    %swap3A_32 = arith.constant 0 : index
    %swap3A_33 = arith.constant 0 : index
    %swap3A_34 = vector.load %arg7[%swap3A_32, %swap3A_33] : memref<1000x128xf32, #tpu.memory_space<vmem>>, vector<1000x128xf32>
    tpu.vector_store %arg7[%swap3A_32, %swap3A_33], %max3A_31 {strides = array<i32>} : memref<1000x128xf32, #tpu.memory_space<vmem>>, vector<1000x128xf32>,
    return
  }
  func.func @transform_0(%arg0: i32) -> (i32, i32) {
    %c0_i32 = arith.constant 0 : i32
    %c0_i32_0 = arith.constant 0 : i32
    return %arg0, %c0_i32 : i32, i32
  }
  func.func @transform_1(%arg0: i32) -> (i32, i32, i32) {
    %c0_i32 = arith.constant 0 : i32
    %c0_i32_0 = arith.constant 0 : i32
    %c0_i32_1 = arith.constant 0 : i32
    return %c0_i32, %arg0, %c0_i32_0 : i32, i32, i32
  }
  func.func @transform_2(%arg0: i32) -> (i32, i32) {
    %c0_i32 = arith.constant 0 : i32
    %c0_i32_0 = arith.constant 0 : i32
    %c0_i32_1 = arith.constant 0 : i32
    return %c0_i32, %c0_i32_0 : i32, i32
  }
  func.func @transform_3(%arg0: i32) -> (i32, i32) {
    %c0_i32 = arith.constant 0 : i32
    %c0_i32_0 = arith.constant 0 : i32
    %c0_i32_1 = arith.constant 0 : i32
    return %c0_i32, %c0_i32_0 : i32, i32
  }
  func.func @transform_4(%arg0: i32) -> (i32, i32) {
    %c0_i32 = arith.constant 0 : i32
    %c0_i32_0 = arith.constant 0 : i32
    %c0_i32_1 = arith.constant 0 : i32
    return %c0_i32, %c0_i32_0 : i32, i32
  }
  func.func @transform_5(%arg0: i32) -> (i32, i32) {
    %c0_i32 = arith.constant 0 : i32
    %c0_i32_0 = arith.constant 0 : i32
    return %arg0, %c0_i32 : i32, i32
  }
  func.func @transform_6(%arg0: i32) -> (i32, i32) {
    %c0_i32 = arith.constant 0 : i32
    %c0_i32_0 = arith.constant 0 : i32
    return %arg0, %c0_i32 : i32, i32
  }
}

module attributes {stable_mosaic.version = 14 : i64} {
  func.func @body(%arg0: i32, %arg1: memref<2x1000x128xf32, #tpu.memory_space<vmem>>, %arg2: memref<1000x128xf32, #tpu.memory_space<vmem>>, %arg3: memref<2x1000x128xf32, #tpu.memory_space<vmem>>, %arg4: memref<256x64xf32, #tpu.memory_space<vmem>>, %arg5: memref<1x128xf32, #tpu.memory_space<vmem>>, %arg6: memref<1000x128xf32, #tpu.memory_space<vmem>>) attributes {dimension_semantics = [#tpu.dimension_semantics<arbitrary>], iteration_bounds = array<i64: 10>, scalar_prefetch = 0 : i64, scratch_operands = 0 : i64, tpu.core_type = #tpu.core_type<tc>, window_params = [{transform_indices = @transform_0, window_bounds = array<i64: 2, 1000, 128>}, {transform_indices = @transform_1, window_bounds = array<i64: 1000, 128>}, {transform_indices = @transform_2, window_bounds = array<i64: 2, 1000, 128>}, {pipeline_mode = #tpu.pipeline_mode<synchronous>, transform_indices = @transform_3, window_bounds = array<i64: 256, 64>}, {pipeline_mode = #tpu.pipeline_mode<synchronous>, transform_indices = @transform_4, window_bounds = array<i64: 1, 128>}, {transform_indices = @transform_5, window_bounds = array<i64: 1000, 128>}]} {
    %get3A = arith.constant 0 : index
    %get3A_0 = arith.constant 0 : index
    %get3A_1 = arith.constant 0 : index
    %get3A_2 = vector.load %arg1[%get3A, %get3A_0, %get3A_1] : memref<2x1000x128xf32, #tpu.memory_space<vmem>>, vector<2x1000x128xf32>
    %slice3A = vector.extract_strided_slice %get3A_2 {offsets = [0, 0, 0], sizes = [1, 1000, 128], strides = [1, 1, 1]} : vector<2x1000x128xf32> to vector<1x1000x128xf32>
    %squeeze3A = vector.shape_cast %slice3A : vector<1x1000x128xf32> to vector<1000x128xf32>
    %slice3A_3 = vector.extract_strided_slice %get3A_2 {offsets = [1, 0, 0], sizes = [1, 1000, 128], strides = [1, 1, 1]} : vector<2x1000x128xf32> to vector<1x1000x128xf32>
    %squeeze3A_4 = vector.shape_cast %slice3A_3 : vector<1x1000x128xf32> to vector<1000x128xf32>
    %add3A = arith.addf %squeeze3A, %squeeze3A_4 : vector<1000x128xf32>
    %get3A_5 = arith.constant 0 : index
    %get3A_6 = arith.constant 0 : index
    %get3A_7 = arith.constant 0 : index
    %get3A_8 = vector.load %arg3[%get3A_5, %get3A_6, %get3A_7] : memref<2x1000x128xf32, #tpu.memory_space<vmem>>, vector<2x1000x128xf32>
    %slice3A_9 = vector.extract_strided_slice %get3A_8 {offsets = [0, 0, 16], sizes = [1, 1000, 1], strides = [1, 1, 1]} : vector<2x1000x128xf32> to vector<1x1000x1xf32>
    %squeeze3A_10 = vector.shape_cast %slice3A_9 : vector<1x1000x1xf32> to vector<1000x1xf32>
    %max3A = arith.constant 1.000000e+00 : f32
    %max3A_11 = vector.broadcast %max3A : f32 to vector<1000x1xf32>
    %max3A_12 = arith.maximumf %squeeze3A_10, %max3A_11 : vector<1000x1xf32>
    %rsqrt3A = math.rsqrt %max3A_12 : vector<1000x1xf32>
    %slice3A_13 = vector.extract_strided_slice %get3A_8 {offsets = [1, 0, 16], sizes = [1, 1000, 1], strides = [1, 1, 1]} : vector<2x1000x128xf32> to vector<1x1000x1xf32>
    %squeeze3A_14 = vector.shape_cast %slice3A_13 : vector<1x1000x1xf32> to vector<1000x1xf32>
    %max3A_15 = arith.constant 1.000000e+00 : f32
    %max3A_16 = vector.broadcast %max3A_15 : f32 to vector<1000x1xf32>
    %max3A_17 = arith.maximumf %squeeze3A_14, %max3A_16 : vector<1000x1xf32>
    %rsqrt3A_18 = math.rsqrt %max3A_17 : vector<1000x1xf32>
    %mul3A = vector.broadcast %rsqrt3A : vector<1000x1xf32> to vector<1000x128xf32>
    %mul3A_19 = arith.mulf %add3A, %mul3A : vector<1000x128xf32>
    %get3A_20 = arith.constant 0 : index
    %get3A_21 = arith.constant 0 : index
    %get3A_22 = vector.load %arg5[%get3A_20, %get3A_21] : memref<1x128xf32, #tpu.memory_space<vmem>>, vector<1x128xf32>
    %add3A_23 = vector.broadcast %get3A_22 : vector<1x128xf32> to vector<1000x128xf32>
    %add3A_24 = arith.addf %mul3A_19, %add3A_23 : vector<1000x128xf32>
    %max3A_25 = arith.constant 0.000000e+00 : f32
    %max3A_26 = vector.broadcast %max3A_25 : f32 to vector<1000x128xf32>
    %max3A_27 = arith.maximumf %add3A_24, %max3A_26 : vector<1000x128xf32>
    %get3A_28 = arith.constant 0 : index
    %get3A_29 = arith.constant 0 : index
    %get3A_30 = vector.load %arg4[%get3A_28, %get3A_29] : memref<256x64xf32, #tpu.memory_space<vmem>>, vector<256x64xf32>
    %slice3A_31 = vector.extract_strided_slice %get3A_30 {offsets = [0, 0], sizes = [128, 64], strides = [1, 1]} : vector<256x64xf32> to vector<128x64xf32>
    %dot_general3A = arith.constant dense<0.000000e+00> : vector<1000x64xf32>
    %dot_general3A_32 = tpu.matmul %max3A_27, %slice3A_31, %dot_general3A {dimension_numbers = #tpu.dot_dimension_numbers<[1], [0], [0], [1], [0, 0, 1, 1], [], []>, transpose_lhs_hint = false} : vector<1000x128xf32>, vector<128x64xf32>, vector<1000x64xf32> -> vector<1000x64xf32>
    %get3A_33 = arith.constant 0 : index
    %get3A_34 = arith.constant 0 : index
    %get3A_35 = vector.load %arg2[%get3A_33, %get3A_34] : memref<1000x128xf32, #tpu.memory_space<vmem>>, vector<1000x128xf32>
    %slice3A_36 = vector.extract_strided_slice %get3A_30 {offsets = [128, 0], sizes = [128, 64], strides = [1, 1]} : vector<256x64xf32> to vector<128x64xf32>
    %dot_general3A_37 = arith.constant dense<0.000000e+00> : vector<1000x64xf32>
    %dot_general3A_38 = tpu.matmul %get3A_35, %slice3A_36, %dot_general3A_37 {dimension_numbers = #tpu.dot_dimension_numbers<[1], [0], [0], [1], [0, 0, 1, 1], [], []>, transpose_lhs_hint = false} : vector<1000x128xf32>, vector<128x64xf32>, vector<1000x64xf32> -> vector<1000x64xf32>
    %add3A_39 = arith.addf %dot_general3A_32, %dot_general3A_38 : vector<1000x64xf32>
    %mul3A_40 = vector.broadcast %rsqrt3A_18 : vector<1000x1xf32> to vector<1000x64xf32>
    %mul3A_41 = arith.mulf %add3A_39, %mul3A_40 : vector<1000x64xf32>
    %broadcast_in_dim3A = arith.constant 0.000000e+00 : f32
    %broadcast_in_dim3A_42 = vector.broadcast %broadcast_in_dim3A : f32 to vector<1000x64xf32>
    %concatenate3A = tpu.concatenate %mul3A_41, %broadcast_in_dim3A_42 in 1 : vector<1000x64xf32>, vector<1000x64xf32> -> vector<1000x128xf32>
    %swap3A = arith.constant 0 : index
    %swap3A_43 = arith.constant 0 : index
    %swap3A_44 = vector.load %arg6[%swap3A, %swap3A_43] : memref<1000x128xf32, #tpu.memory_space<vmem>>, vector<1000x128xf32>
    tpu.vector_store %arg6[%swap3A, %swap3A_43], %concatenate3A {strides = array<i32>} : memref<1000x128xf32, #tpu.memory_space<vmem>>, vector<1000x128xf32>,
    return
  }
  func.func @transform_0(%arg0: i32) -> (i32, i32, i32) {
    %c0_i32 = arith.constant 0 : i32
    %c0_i32_0 = arith.constant 0 : i32
    %c0_i32_1 = arith.constant 0 : i32
    return %c0_i32, %arg0, %c0_i32_0 : i32, i32, i32
  }
  func.func @transform_1(%arg0: i32) -> (i32, i32) {
    %c0_i32 = arith.constant 0 : i32
    %c0_i32_0 = arith.constant 0 : i32
    return %arg0, %c0_i32 : i32, i32
  }
  func.func @transform_2(%arg0: i32) -> (i32, i32, i32) {
    %c0_i32 = arith.constant 0 : i32
    %c0_i32_0 = arith.constant 0 : i32
    %c0_i32_1 = arith.constant 0 : i32
    return %c0_i32, %arg0, %c0_i32_0 : i32, i32, i32
  }
  func.func @transform_3(%arg0: i32) -> (i32, i32) {
    %c0_i32 = arith.constant 0 : i32
    %c0_i32_0 = arith.constant 0 : i32
    %c0_i32_1 = arith.constant 0 : i32
    return %c0_i32, %c0_i32_0 : i32, i32
  }
  func.func @transform_4(%arg0: i32) -> (i32, i32) {
    %c0_i32 = arith.constant 0 : i32
    %c0_i32_0 = arith.constant 0 : i32
    %c0_i32_1 = arith.constant 0 : i32
    return %c0_i32, %c0_i32_0 : i32, i32
  }
  func.func @transform_5(%arg0: i32) -> (i32, i32) {
    %c0_i32 = arith.constant 0 : i32
    %c0_i32_0 = arith.constant 0 : i32
    return %arg0, %c0_i32 : i32, i32
  }
}

module attributes {stable_mosaic.version = 14 : i64} {
  func.func @body(%arg0: i32, %arg1: memref<2x1000x128xf32, #tpu.memory_space<vmem>>, %arg2: memref<2x1000x128xf32, #tpu.memory_space<vmem>>, %arg3: memref<1x64xf32, #tpu.memory_space<vmem>>, %arg4: memref<1000x64xf32, #tpu.memory_space<vmem>>) attributes {dimension_semantics = [#tpu.dimension_semantics<arbitrary>], iteration_bounds = array<i64: 10>, scalar_prefetch = 0 : i64, scratch_operands = 0 : i64, tpu.core_type = #tpu.core_type<tc>, window_params = [{transform_indices = @transform_0, window_bounds = array<i64: 2, 1000, 128>}, {transform_indices = @transform_1, window_bounds = array<i64: 2, 1000, 128>}, {pipeline_mode = #tpu.pipeline_mode<synchronous>, transform_indices = @transform_2, window_bounds = array<i64: 1, 64>}, {transform_indices = @transform_3, window_bounds = array<i64: 1000, 64>}]} {
    %get3A = arith.constant 0 : index
    %get3A_0 = arith.constant 0 : index
    %get3A_1 = arith.constant 0 : index
    %get3A_2 = vector.load %arg1[%get3A, %get3A_0, %get3A_1] : memref<2x1000x128xf32, #tpu.memory_space<vmem>>, vector<2x1000x128xf32>
    %get3A_3 = arith.constant 0 : index
    %get3A_4 = arith.constant 0 : index
    %get3A_5 = arith.constant 0 : index
    %get3A_6 = vector.load %arg2[%get3A_3, %get3A_4, %get3A_5] : memref<2x1000x128xf32, #tpu.memory_space<vmem>>, vector<2x1000x128xf32>
    %slice3A = vector.extract_strided_slice %get3A_6 {offsets = [0, 0, 16], sizes = [1, 1000, 1], strides = [1, 1, 1]} : vector<2x1000x128xf32> to vector<1x1000x1xf32>
    %squeeze3A = vector.shape_cast %slice3A : vector<1x1000x1xf32> to vector<1000x1xf32>
    %max3A = arith.constant 1.000000e+00 : f32
    %max3A_7 = vector.broadcast %max3A : f32 to vector<1000x1xf32>
    %max3A_8 = arith.maximumf %squeeze3A, %max3A_7 : vector<1000x1xf32>
    %rsqrt3A = math.rsqrt %max3A_8 : vector<1000x1xf32>
    %slice3A_9 = vector.extract_strided_slice %get3A_2 {offsets = [0, 0, 0], sizes = [1, 1000, 64], strides = [1, 1, 1]} : vector<2x1000x128xf32> to vector<1x1000x64xf32>
    %squeeze3A_10 = vector.shape_cast %slice3A_9 : vector<1x1000x64xf32> to vector<1000x64xf32>
    %slice3A_11 = vector.extract_strided_slice %get3A_2 {offsets = [1, 0, 0], sizes = [1, 1000, 64], strides = [1, 1, 1]} : vector<2x1000x128xf32> to vector<1x1000x64xf32>
    %squeeze3A_12 = vector.shape_cast %slice3A_11 : vector<1x1000x64xf32> to vector<1000x64xf32>
    %add3A = arith.addf %squeeze3A_10, %squeeze3A_12 : vector<1000x64xf32>
    %mul3A = vector.broadcast %rsqrt3A : vector<1000x1xf32> to vector<1000x64xf32>
    %mul3A_13 = arith.mulf %add3A, %mul3A : vector<1000x64xf32>
    %get3A_14 = arith.constant 0 : index
    %get3A_15 = arith.constant 0 : index
    %get3A_16 = vector.load %arg3[%get3A_14, %get3A_15] : memref<1x64xf32, #tpu.memory_space<vmem>>, vector<1x64xf32>
    %add3A_17 = vector.broadcast %get3A_16 : vector<1x64xf32> to vector<1000x64xf32>
    %add3A_18 = arith.addf %mul3A_13, %add3A_17 : vector<1000x64xf32>
    %swap3A = arith.constant 0 : index
    %swap3A_19 = arith.constant 0 : index
    %swap3A_20 = vector.load %arg4[%swap3A, %swap3A_19] : memref<1000x64xf32, #tpu.memory_space<vmem>>, vector<1000x64xf32>
    tpu.vector_store %arg4[%swap3A, %swap3A_19], %add3A_18 {strides = array<i32>} : memref<1000x64xf32, #tpu.memory_space<vmem>>, vector<1000x64xf32>,
    return
  }
  func.func @transform_0(%arg0: i32) -> (i32, i32, i32) {
    %c0_i32 = arith.constant 0 : i32
    %c0_i32_0 = arith.constant 0 : i32
    %c0_i32_1 = arith.constant 0 : i32
    return %c0_i32, %arg0, %c0_i32_0 : i32, i32, i32
  }
  func.func @transform_1(%arg0: i32) -> (i32, i32, i32) {
    %c0_i32 = arith.constant 0 : i32
    %c0_i32_0 = arith.constant 0 : i32
    %c0_i32_1 = arith.constant 0 : i32
    return %c0_i32, %arg0, %c0_i32_0 : i32, i32, i32
  }
  func.func @transform_2(%arg0: i32) -> (i32, i32) {
    %c0_i32 = arith.constant 0 : i32
    %c0_i32_0 = arith.constant 0 : i32
    %c0_i32_1 = arith.constant 0 : i32
    return %c0_i32, %c0_i32_0 : i32, i32
  }
  func.func @transform_3(%arg0: i32) -> (i32, i32) {
    %c0_i32 = arith.constant 0 : i32
    %c0_i32_0 = arith.constant 0 : i32
    return %arg0, %c0_i32 : i32, i32
  }
}

</mosaic_0001>

<sc_bundles>
// kernel: kernel.11.cloned.1.call-start
scs
__scs_entry_jumppad:
0x0: {  	(pc) =	sbr.rel $0x88, $3  }
0x1: {  	(tag) =	ssettag $0x0;
	lr =	simm.s32 $0x1  }
0x2: {  	[smem:$0x3F98] =	sst lr;
	_ =	strace $0xD0000000  }
0x3: {  	_ = 	snop  }
0x4: {  	_ = 	snop  }
0x5: {  	_ = 	snop  }
0x6: {  	_ = 	snop  }
0x7: {  	_ = 	snop  }
__scs_overlays_trampoline_lowered:
0x8: {  	[smem:$0x3FA7] =	sst s0  }
0x9: {  	[smem:$0x3FA8] =	sst s1  }
0xa: {  	[smem:$0x3FA9] =	sst s2  }
0xb: {  	[smem:$0x3FAA] =	sst s3  }
0xc: {  	[smem:$0x3FAB] =	sst s4  }
0xd: {  	[smem:$0x3FAC] =	sst s5  }
0xe: {  	[smem:$0x3FAD] =	sst s6  }
0xf: {  	[smem:$0x3FAE] =	sst s7  }
0x10: {  	[smem:$0x3FAF] =	sst s8  }
0x11: {  	[smem:$0x3FB0] =	sst s9;
	s0 =	simm.s32 @!p0 $0x0  }
0x12: {  	s1 =	sld [smem:$0x3F96];
	s0 =	simm.s32 @p0 $0x1  }
0x13: {  	[smem:$0x3FB1] =	sst s0;
	s0 =	simm.s32 @!p1 $0x0  }
0x14: {  	s2 =	sld [smem:$0x3F95];
	s0 =	simm.s32 @p1 $0x1  }
0x15: {  	[smem:$0x3FB2] =	sst s0;
	s0 =	simm.s32 @!p2 $0x0  }
0x16: {  	s3 =	sld [smem:$0x3FDB];
	s0 =	simm.s32 @p2 $0x1  }
0x17: {  	s4 =	simm.s32 $0x1BF5;
	[smem:$0x3FB4] =	sst s0  }
0x18: {  	s0 =	sld [smem:$0x3F97];
	_ =	swait.ge [sflag:s4], $0x0  }
0x19: {  	s7 =	sld [smem:$0x3F98]  }
0x1a: {  	s8 =	sadd.s32 $0xFFFFE003, lr  }
0x1b: {  	s9 =	sadd.s32 $0xFFFFFEF7, lr;
	s5 =	simm.s32 $0xFFFFFFFF;
	p2 =	slt.u32 s8, $0xFFFFF086  }
0x1c: {  	p1 =	slt.u32 s9, $0xF7A;
	s5 =	simm.s32 @!p2 $0x0  }
0x1d: {  	s5 =	simm.s32 @p1 $0x1;
	p0 =	seq.s32 s7, s2  }
0x1e: {  	s7 =	smul.u32 @!p0 $0xF7A, s2;
	p2 =	seq.s32 @!p0 s5, $0x0  }
0x1f: {  	s9 =	smul.u32 $0xF7A, s1;
	s8 =	simm.s32 @!p0 $0x1BF5;
	p2 =	por !p2, p0  }
0x20: {  	[sflag:s8] =	ssyncset.s32 @!p0 $0xFFFFF086;
	s6 =	sadd.s32 @!p0 s3, s7;
	s7 =	simm.s32 @!p0 $0x108  }
0x21: {  	s3 =	sadd.s32 s3, s9;
	s6 =	sadd.s32 @!p0 $0x88, s6;
	s7 =	simm.s32 @p2 $0x1082  }
0x22: {  	[simem:s7], [sflag:s8] =	dma.local @!p0 [hbm:s6], $0xF7A  }
0x23: {  	s9 =	sor.u32 $0xD0000000, s2;
	s6 =	simm.s32 $0x108;
	_ =	swait.ge @!p0 [sflag:s8], $0x0  }
0x24: {  	s3 =	sadd.s32 $0x88, s3;
	s6 =	simm.s32 @!p1 $0x1082;
	[sflag:s4] =	ssyncset.s32 $0xFFFFF086  }
0x25: {  	[simem:s6], [sflag:s4] =	dma.local [hbm:s3], $0xF7A  }
0x26: {  	[smem:$0x3F98] =	sst s1;
	(tag) =	ssettag s2;
	_ =	strace s9  }
0x27: {  	s1 =	sld [smem:$0x3FA8]  }
0x28: {  	s2 =	sld [smem:$0x3FA9]  }
0x29: {  	s4 =	sld [smem:$0x3FAB]  }
0x2a: {  	p0 =	seq.s32 s5, $0x0;
	s5 =	sld [smem:$0x3FAC]  }
0x2b: {  	s6 =	sld [smem:$0x3FAD]  }
0x2c: {  	s7 =	sld [smem:$0x3FAE]  }
0x2d: {  	s3 =	simm.s32 $0x108;
	s8 =	sld [smem:$0x3FAF]  }
0x2e: {  	s3 =	simm.s32 @!p0 $0x1082;
	s9 =	sld [smem:$0x3FB0]  }
0x2f: {  	lr =	sadd.s32 s0, s3;
	s0 =	sld [smem:$0x3FA7]  }
0x30: {  	s3 =	sld [smem:$0x3FAA]  }
0x31: {  	[smem:$0x3FB3] =	sst s10  }
0x32: {  	s10 =	sld [smem:$0x3FB1];
	_ =	sdelay $0x3  }
0x33: {  	p0 =	seq.s32 s10, $0x1;
	s10 =	sld [smem:$0x3FB3];
	_ =	sdelay $0x3  }
0x34: {  	[smem:$0x3FB3] =	sst s10  }
0x35: {  	s10 =	sld [smem:$0x3FB2];
	_ =	sdelay $0x3  }
0x36: {  	p1 =	seq.s32 s10, $0x1;
	s10 =	sld [smem:$0x3FB3];
	_ =	sdelay $0x3  }
0x37: {  	[smem:$0x3FB3] =	sst s10  }
0x38: {  	s10 =	sld [smem:$0x3FB4]  }
0x39: {  	_ = 	snop;
	(pc) =	sbr.ind lr, $3  }
0x3a: {  	_ = 	snop  }
0x3b: {  	_ = 	snop  }
0x3c: {  	p2 =	seq.s32 s10, $0x1;
	s10 =	sld [smem:$0x3FB3]  }
0x3d: {  	_ =	shalt  }
0x3e: {  	_ =	shalt  }
0x3f: {  	_ =	shalt  }
0x40: {  	_ =	shalt  }
0x41: {  	_ =	shalt  }
0x42: {  	_ =	shalt  }
0x43: {  	_ =	shalt  }
0x44: {  	_ =	shalt  }
0x45: {  	_ =	shalt  }
0x46: {  	_ =	shalt  }
0x47: {  	_ =	shalt  }
0x48: {  	_ =	shalt  }
0x49: {  	_ =	shalt  }
0x4a: {  	_ =	shalt  }
0x4b: {  	_ =	shalt  }
0x4c: {  	_ =	shalt  }
0x4d: {  	_ =	shalt  }
0x4e: {  	_ =	shalt  }
0x4f: {  	_ =	shalt  }
0x50: {  	_ =	shalt  }
0x51: {  	_ =	shalt  }
0x52: {  	_ =	shalt  }
0x53: {  	_ =	shalt  }
0x54: {  	_ =	shalt  }
0x55: {  	_ =	shalt  }
0x56: {  	_ =	shalt  }
0x57: {  	_ =	shalt  }
0x58: {  	_ =	shalt  }
0x59: {  	_ =	shalt  }
0x5a: {  	_ =	shalt  }
0x5b: {  	_ =	shalt  }
0x5c: {  	_ =	shalt  }
0x5d: {  	_ =	shalt  }
0x5e: {  	_ =	shalt  }
0x5f: {  	_ =	shalt  }
0x60: {  	_ =	shalt  }
0x61: {  	_ =	shalt  }
0x62: {  	_ =	shalt  }
0x63: {  	_ =	shalt  }
0x64: {  	_ =	shalt  }
0x65: {  	_ =	shalt  }
0x66: {  	_ =	shalt  }
0x67: {  	_ =	shalt  }
0x68: {  	_ =	shalt  }
0x69: {  	_ =	shalt  }
0x6a: {  	_ =	shalt  }
0x6b: {  	_ =	shalt  }
0x6c: {  	_ =	shalt  }
0x6d: {  	_ =	shalt  }
0x6e: {  	_ =	shalt  }
0x6f: {  	_ =	shalt  }
0x70: {  	_ =	shalt  }
0x71: {  	_ =	shalt  }
0x72: {  	_ =	shalt  }
0x73: {  	_ =	shalt  }
0x74: {  	_ =	shalt  }
0x75: {  	_ =	shalt  }
0x76: {  	_ =	shalt  }
0x77: {  	_ =	shalt  }
0x78: {  	_ =	shalt  }
0x79: {  	_ =	shalt  }
0x7a: {  	_ =	shalt  }
0x7b: {  	_ =	shalt  }
0x7c: {  	_ =	shalt  }
0x7d: {  	_ =	shalt  }
0x7e: {  	_ =	shalt  }
0x7f: {  	_ =	shalt  }
0x80: {  	_ =	shalt  }
0x81: {  	_ =	shalt  }
0x82: {  	_ =	shalt  }
0x83: {  	_ =	shalt  }
0x84: {  	_ =	shalt  }
0x85: {  	_ =	shalt  }
0x86: {  	_ =	shalt  }
0x87: {  	_ =	shalt  }
.Lfunc_end0:
.L_simem_size_0:
called_computation.1_lowered:
.L_overlay_start_0:
0x88: {  	s2 =	sld [smem:$0x3FD9]  }
0x89: {  	s3 =	sld [smem:$0x3FFE];
	_ =	sdelay $0x1  }
0x8a: {  	s1 =	srdreg.scid  }
0x8b: {  	s0 =	sand.u32 $0x1, s1  }
0x8c: {  	s17 =	sshll.u32 s0, $0xA;
	s2 =	sadd.s32 s3, s2  }
0x8d: {  	s2 =	sadd.s32 s2, s17  }
0x8e: {  	[smem:$0x3FBF] =	sst s2  }
0x8f: {  	_ = 	snop  }
0x90: {  	s2 =	sld [smem:$0x3FD0];
	(tm) =	ssettm $0x1  }
0x91: {  	s18 =	sld [smem:$0x3FFB];
	_ =	sdelay $0x3  }
0x92: {  	_ =	strace s18  }
0x93: {  	s3 =	sld [smem:$0x3FFC];
	_ =	sdelay $0x3  }
0x94: {  	_ =	strace s3  }
0x95: {  	s3 =	sld [smem:$0x3FFD];
	_ =	sdelay $0x3  }
0x96: {  	_ =	strace s3  }
0x97: {  	_ =	strace $0x8FFFFFFF  }
0x98: {  	s19 =	sld [smem:$0x3FDB];
	_ =	sdelay $0x1  }
0x99: {  	s4 =	simm.s32 $_scs_section_size  }
0x9a: {  	s5 =	simm.s32 $_size__tile_overlayer_lowered;
	s6 =	simm.s32 $_tile_overlayer_lowered  }
0x9b: {  	s22 =	simm.s32 $0x1BFF;
	s21 =	sshll.u32 s6, $0x1;
	s3 =	sadd.s32 s4, s19  }
0x9c: {  	s7 =	simm.s32 $0x0;
	s20 =	sshll.u32 s5, $0x1;
	s5 =	sadd.s32 s21, s3  }
0x9d: {  	[timem:s7], [sflag:s22] =	dma.local [hbm:s5], s20  }
0x9e: {  	_ =	swait.ge [sflag:s22], s20  }
0x9f: {  	s4 =	ssub.s32 $0x0, s20;
	[sflag:s22] =	ssyncset.done $0x0  }
0xa0: {  	[sflag:s22] =	ssyncadd.s32 s4;
	_ =	sdelay $0x1  }
0xa1: {  	s23 =	simm.s32 $0x1B8B  }
0xa2: {  	_ =	swait.ge [sflag:s23], $0x1  }
0xa3: {  	[sflag:s23] =	ssyncset.done $0x0  }
0xa4: {  	s25 =	simm.s32 $0x1B8E;
	s24 =	sld [smem:$0x3FFE];
	[sflag:s23] =	ssyncadd.s32 $0xFFFFFFFF  }
0xa5: {  	s26 =	simm.s32 $execute0_lowered;
	[smem:$0x3FD2] =	sst s25  }
0xa6: {  	s5 =	sshll.u32 s26, $0x1;
	_ =	strace $0x80000049;
	[dreg:$0x1] =	wrdreg $0xFFFFFFFF  }
0xa7: {  	s28 =	simm.s32 $_size_execute0_lowered;
	s3 =	sadd.s32 s3, s5;
	[dreg:$0x0] =	wrdreg $0x0  }
0xa8: {  	s5 =	sshll.u32 s28, $0x1;
	[dreg:$0x2] =	wrdreg s3  }
0xa9: {  	[dreg:$0x3] =	wrdreg s5  }
0xaa: {  	[dreg:$0x4] =	wrdreg $0xC0  }
0xab: {  	_ =	task [dreg:s7], $0x5FFFF  }
0xac: {  	[dreg:$0x1] =	wrdreg $0xFFFFFFFF  }
0xad: {  	[dreg:$0x0] =	wrdreg $0x60  }
0xae: {  	[dreg:$0x2] =	wrdreg s24  }
0xaf: {  	[dreg:$0x3] =	wrdreg s2  }
0xb0: {  	[dreg:$0x4] =	wrdreg $0x41000  }
0xb1: {  	[dreg:$0x5] =	wrdreg $0x9  }
0xb2: {  	_ =	task.clear_ibuf [dreg:s7], $0x6FFFF;
	_ =	strace $0x90000049  }
0xb3: {  	s29 =	simm.s32 $0x9;
	_ =	strace $0x8000004B  }
0xb4: {  	_ =	swait.ge [sflag:s29], $0x1  }
0xb5: {  	[sflag:s29] =	ssyncadd.s32 $0xFFFFFFFF  }
0xb6: {  	_ =	strace $0x9000004B  }
0xb7: {  	_ =	sfence  }
0xb8: {  	s30 =	sld [smem:$0x0];
	_ =	sdelay $0x2  }
0xb9: {  	s31 =	sshll.u32 s1, $0xD;
	s1 =	sshrl.u32 s1, $0x2  }
0xba: {  	s3 =	sand.u32 $0x4000, s31;
	s1 =	sadd.s32 s1, s30  }
0xbb: {  	s0 =	sor.u32 s3, s0;
	s1 =	sshll.u32 s1, $0x11  }
0xbc: {  	s0 =	sor.u32 s1, s0  }
0xbd: {  	s0 =	sadd.s32 $0x8F2B, s0  }
0xbe: {  	[sflag:s0] =	ssyncadd.remote.s32 $0x1  }
0xbf: {  	_ =	sfence.sel $0xFFFF  }
0xc0: {  	[dreg:$0x0] =	wrdreg $0xFFFFFFFF;
	(pc) =	sbr.abs _section_cstart, $3  }
0xc1: {  	[dreg:$0x1] =	wrdreg $0xFFFFFFFF  }
0xc2: {  	_ =	task.clear_ibuf [dreg:s7], $0x2FFFF;
	_ =	strace $0x9FFFFFFF  }
0xc3: {  	(tm) =	ssettm $0x7FFFFFFF  }
tec
execute0_lowered:
.L_overlay_start_1:
0x0: {  	(tag) =	ssettag $0x1  }
0x1: {  	s6 =	rddreg [dreg:$0x0]  }
0x2: {  	s16 =	rddreg [dreg:$0x1]  }
0x3: {  	s1 =	rddreg [dreg:$0x2]  }
0x4: {  	s0 =	rddreg [dreg:$0x3];
	s2 =	simm.s32 $0x0;
	s3 =	srdreg.scid  }
0x5: {  	[smem:$0x7FF] =	sst s2;
	s7 =	sand.u32 $0x1, s3  }
0x6: {  	s3 =	stileid.u32;
	s17 =	smul.u32 $0x4E20, s7  }
0x7: {  	s4 =	sadd.s32 $0x1E00, s6;
	s5 =	sadd.s32 $0x29000, s6;
	s8 =	smul.u32 $0x50000, s3  }
0x8: {  	s15 =	sadd.s32 $0x29800, s6;
	_ =	strace $0x8000004A;
	s11 =	smul.u32 $0x14000, s3  }
0x9: {  	s9 =	ssub.s32 $0x2, s7;
	s14 =	smul.u32 $0x140000, s7;
	s31 =	sshll.u32 s3, $0x4  }
0xa: {  	s10 =	sshrl.u32 s9, $0x1;
	s18 =	sadd.s32 s17, s6;
	s8 =	sshrl.u32 s8, $0x2  }
0xb: {  	s19 =	ssub.s32 s9, s10;
	s12 =	sadd.s32 $0x4000, s11;
	s13 =	sadd.s32 $0x8000, s11  }
0xc: {  	s20 =	sadd.s32 $0xC000, s11;
	s21 =	sadd.s32 $0x10000, s11;
	s11 =	sadd.s32 s11, s14  }
0xd: {  	s17 =	sadd.s32 s17, s16;
	s6 =	sadd.s32 s8, s1;
	s7 =	sadd.s32 s12, s1  }
0xe: {  	s8 =	sadd.s32 s13, s1;
	s9 =	sadd.s32 s20, s1;
	s10 =	sadd.s32 s21, s1  }
0xf: {  	s11 =	sshrl.u32 s11, $0x3;
	s12 =	sadd.s32 s14, s12;
	s13 =	sadd.s32 s14, s13  }
0x10: {  	s20 =	sadd.s32 s14, s20;
	s21 =	sadd.s32 s14, s21;
	s18 =	sadd.s32 s31, s18  }
0x11: {  	s16 =	smax.u32 s19, $0x1;
	s17 =	sadd.s32 s31, s17;
	s19 =	simm.s32 $0x100  }
0x12: {  	s11 =	sadd.s32 s15, s11;
	s12 =	sshrl.u32 s12, $0x3;
	s13 =	sshrl.u32 s13, $0x3  }
0x13: {  	s20 =	sshrl.u32 s20, $0x3;
	s30 =	sshrl.u32 s21, $0x3;
	s18 =	sadd.s32 $0x535000, s18  }
0x14: {  	s21 =	simm.s32 $0x0;
	s12 =	sadd.s32 s15, s12;
	s13 =	sadd.s32 s15, s13  }
0x15: {  	s14 =	sadd.s32 s15, s20;
	s15 =	sadd.s32 s15, s30;
	s20 =	simm.s32 $0x2  }
.LBB2_1:
0x16: {  	[tilespmem:s19], [sflag:$0x2] =	stream.linear.gather [hbm4b:s5+s2], $0x4000, $0x38;
	[tilespmem:$0x18100] =	vst v63  }
0x17: {  	_ =	swait.ge [sflag:s20], $0x4000  }
0x18: {  	[sflag:s20] =	ssyncset.done $0x0  }
0x19: {  	[sflag:s20] =	ssyncadd.s32 $0xFFFFC000  }
0x1a: {  	[spmem:s6] =	stream.linear.scatter [tilespmem:s19], [sflag:$0x2], $0x4000, $0x38;
	[tilespmem:$0x18100] =	vst v63  }
0x1b: {  	_ =	swait.ge [sflag:s20], $0x4000  }
0x1c: {  	[sflag:s20] =	ssyncset.done $0x0  }
0x1d: {  	[sflag:s20] =	ssyncadd.s32 $0xFFFFC000  }
0x1e: {  	[spmem:s7] =	stream.linear.scatter [tilespmem:s19], [sflag:$0x2], $0x4000, $0x38;
	[tilespmem:$0x18100] =	vst v63  }
0x1f: {  	_ =	swait.ge [sflag:s20], $0x4000  }
0x20: {  	[sflag:s20] =	ssyncset.done $0x0  }
0x21: {  	[sflag:s20] =	ssyncadd.s32 $0xFFFFC000  }
0x22: {  	[spmem:s8] =	stream.linear.scatter [tilespmem:s19], [sflag:$0x2], $0x4000, $0x38;
	[tilespmem:$0x18100] =	vst v63  }
0x23: {  	_ =	swait.ge [sflag:s20], $0x4000  }
0x24: {  	[sflag:s20] =	ssyncset.done $0x0  }
0x25: {  	[sflag:s20] =	ssyncadd.s32 $0xFFFFC000  }
0x26: {  	[spmem:s9] =	stream.linear.scatter [tilespmem:s19], [sflag:$0x2], $0x4000, $0x38;
	[tilespmem:$0x18100] =	vst v63  }
0x27: {  	_ =	swait.ge [sflag:s20], $0x4000  }
0x28: {  	[sflag:s20] =	ssyncset.done $0x0  }
0x29: {  	[sflag:s20] =	ssyncadd.s32 $0xFFFFC000  }
0x2a: {  	[spmem:s10] =	stream.linear.scatter [tilespmem:s19], [sflag:$0x2], $0x4000, $0x38;
	[tilespmem:$0x18100] =	vst v63  }
0x2b: {  	_ =	swait.ge [sflag:s20], $0x4000  }
0x2c: {  	p0 =	sgt.u32 s3, $0x4E1;
	[sflag:s20] =	ssyncset.done $0x0  }
0x2d: {  	s22 =	sadd.s32 @!p0 $0x0, s18;
	[sflag:s20] =	ssyncadd.s32 $0xFFFFC000  }
0x2e: {  	s23 =	simm.s32 @!p0 $0x0;
	s24 =	simm.s32 @!p0 $0x3;
	[bflag:$0x0] =	sbarrier.arrive $0xFFFF  }
0x2f: {  	[tilespmem:s23], [sflag:$0x3] =	stream.linear.gather @!p0 [hbm4b:s22+s23], $0x80, $0x38;
	[tilespmem:$0x18100] =	vst v63  }
0x30: {  	_ =	swait.ge @!p0 [sflag:s24], $0x80;
	p0 =	por p0, p0  }
0x31: {  	[sflag:s24] =	ssyncset.done @!p0 $0x0  }
0x32: {  	s22 =	sadd.s32 @!p0 $0x0, s17;
	s25 =	simm.s32 @!p0 $0x80;
	[sflag:s24] =	ssyncadd.s32 @!p0 $0xFFFFFF80  }
0x33: {  	[tilespmem:s25], [sflag:$0x3] =	stream.linear.gather @!p0 [hbm4b:s22+s23], $0x80, $0x38;
	[tilespmem:$0x18100] =	vst v63  }
0x34: {  	_ =	swait.ge @!p0 [sflag:s24], $0x80  }
0x35: {  	[sflag:s24] =	ssyncset.done @!p0 $0x0  }
0x36: {  	s22 =	simm.s32 @!p0 $0x100;
	[sflag:s24] =	ssyncadd.s32 @!p0 $0xFFFFFF80;
	s24 =	simm.s32 @!p0 $0x1  }
0x37: {  	[tilespmem:s22], [sflag:$0x1] =	stream.indirect.gather @!p0 [hbm4b:s4+s25], $0x80, s23, s25, $0xb8;
	[tilespmem:$0x18100] =	vst v63  }
0x38: {  	_ =	swait.ge @!p0 [sflag:s24], $0x4000  }
0x39: {  	[sflag:s24] =	ssyncset.done @!p0 $0x0  }
0x3a: {  	s23 =	sadd.s32 $0x10, s3;
	[sflag:s24] =	ssyncadd.s32 @!p0 $0xFFFFC000  }
0x3b: {  	[spmem:s1] =	stream.indirect.scatter.add.f32 @!p0 [tilespmem:s22], [sflag:$0x2], $0x80, s25, s25, $0xb8;
	[tilespmem:$0x18100] =	vst v63  }
0x3c: {  	p2 =	sgt.u32 s23, $0x4E1;
	s25 =	simm.s32 @!p0 $0x2  }
0x3d: {  	s24 =	simm.s32 $0x200;
	s22 =	simm.s32 $0x100;
	_ =	swait.ge @!p0 [sflag:s25], $0x4000  }
.LBB2_2:
0x3e: {  	s26 =	sadd.s32 @!p2 s22, s18  }
0x3f: {  	s28 =	simm.s32 @!p2 $0x0;
	[sflag:s25] =	ssyncset.done @!p0 $0x0;
	s29 =	smov.u32 s24  }
0x40: {  	s24 =	sadd.s32 $0x100, s24;
	s30 =	simm.s32 @!p2 $0x3;
	[sflag:s25] =	ssyncadd.s32 @!p0 $0xFFFFC000  }
0x41: {  	[tilespmem:s28], [sflag:$0x3] =	stream.linear.gather @!p2 [hbm4b:s26+s28], $0x80, $0x38;
	[tilespmem:$0x18100] =	vst v63  }
0x42: {  	p1 =	sne.s32 s24, $0x4F00;
	p0 =	por p2, p2;
	_ =	swait.ge @!p2 [sflag:s30], $0x80  }
0x43: {  	[sflag:s30] =	ssyncset.done @!p0 $0x0  }
0x44: {  	s22 =	sadd.s32 @!p0 s22, s17;
	s26 =	simm.s32 @!p0 $0x80;
	[sflag:s30] =	ssyncadd.s32 @!p0 $0xFFFFFF80  }
0x45: {  	[tilespmem:s26], [sflag:$0x3] =	stream.linear.gather @!p0 [hbm4b:s22+s28], $0x80, $0x38;
	[tilespmem:$0x18100] =	vst v63  }
0x46: {  	s22 =	smov.u32 s29;
	_ =	swait.ge @!p0 [sflag:s30], $0x80  }
0x47: {  	[sflag:s30] =	ssyncset.done @!p0 $0x0  }
0x48: {  	s25 =	simm.s32 @!p0 $0x1;
	s29 =	simm.s32 @!p0 $0x100;
	[sflag:s30] =	ssyncadd.s32 @!p0 $0xFFFFFF80  }
0x49: {  	[tilespmem:s29], [sflag:$0x1] =	stream.indirect.gather @!p0 [hbm4b:s4+s26], $0x80, s28, s26, $0xb8;
	[tilespmem:$0x18100] =	vst v63  }
.Ltmp0:
0x4a: {  	_ =	swait.ge @!p0 [sflag:s25], $0x4000;
	(pc) =	sbr.rel @p1 .LBB2_2-.Ltmp0, $4  }
0x4b: {  	[sflag:s25] =	ssyncset.done @!p0 $0x0  }
0x4c: {  	s23 =	sadd.s32 $0x10, s23;
	[sflag:s25] =	ssyncadd.s32 @!p0 $0xFFFFC000;
	s25 =	simm.s32 @!p0 $0x2  }
0x4d: {  	[spmem:s1] =	stream.indirect.scatter.add.f32 @!p0 [tilespmem:s29], [sflag:$0x2], $0x80, s26, s26, $0xb8;
	[tilespmem:$0x18100] =	vst v63  }
0x4e: {  	p2 =	sgt.u32 s23, $0x4E1;
	_ =	swait.ge @!p0 [sflag:s25], $0x4000  }
0x4f: {  	s23 =	sadd.s32 @!p2 s22, s18;
	[sflag:s25] =	ssyncset.done @!p0 $0x0  }
0x50: {  	s24 =	simm.s32 @!p2 $0x0;
	s26 =	simm.s32 @!p2 $0x3;
	[sflag:s25] =	ssyncadd.s32 @!p0 $0xFFFFC000  }
0x51: {  	[tilespmem:s24], [sflag:$0x3] =	stream.linear.gather @!p2 [hbm4b:s23+s24], $0x80, $0x38;
	[tilespmem:$0x18100] =	vst v63  }
0x52: {  	p0 =	por p2, p2;
	_ =	swait.ge @!p2 [sflag:s26], $0x80  }
0x53: {  	[sflag:s26] =	ssyncset.done @!p0 $0x0  }
0x54: {  	s22 =	sadd.s32 @!p0 s22, s17;
	s23 =	simm.s32 @!p0 $0x80;
	[sflag:s26] =	ssyncadd.s32 @!p0 $0xFFFFFF80  }
0x55: {  	[tilespmem:s23], [sflag:$0x3] =	stream.linear.gather @!p0 [hbm4b:s22+s24], $0x80, $0x38;
	[tilespmem:$0x18100] =	vst v63  }
0x56: {  	_ =	swait.ge @!p0 [sflag:s26], $0x80  }
0x57: {  	[sflag:s26] =	ssyncset.done @!p0 $0x0  }
0x58: {  	s25 =	simm.s32 @!p0 $0x1;
	s22 =	simm.s32 @!p0 $0x100;
	[sflag:s26] =	ssyncadd.s32 @!p0 $0xFFFFFF80  }
0x59: {  	[tilespmem:s22], [sflag:$0x1] =	stream.indirect.gather @!p0 [hbm4b:s4+s23], $0x80, s24, s23, $0xb8;
	[tilespmem:$0x18100] =	vst v63  }
0x5a: {  	_ =	swait.ge @!p0 [sflag:s25], $0x4000  }
0x5b: {  	[sflag:s25] =	ssyncset.done @!p0 $0x0  }
0x5c: {  	s24 =	simm.s32 @!p0 $0x2;
	[sflag:s25] =	ssyncadd.s32 @!p0 $0xFFFFC000  }
0x5d: {  	[spmem:s1] =	stream.indirect.scatter.add.f32 @!p0 [tilespmem:s22], [sflag:$0x2], $0x80, s23, s23, $0xb8;
	[tilespmem:$0x18100] =	vst v63  }
0x5e: {  	_ =	swait.ge @!p0 [sflag:s24], $0x4000  }
0x5f: {  	[sflag:s24] =	ssyncset.done @!p0 $0x0  }
0x60: {  	[sflag:s24] =	ssyncadd.s32 @!p0 $0xFFFFC000  }
0x61: {  	[bflag:$0x0] =	sbarrier.arrive $0xFFFF  }
0x62: {  	[tilespmem:s19], [sflag:$0x2] =	stream.linear.gather [spmem:s6], $0x4000, $0x38;
	[tilespmem:$0x18100] =	vst v63  }
0x63: {  	_ =	swait.ge [sflag:s20], $0x4000  }
0x64: {  	[sflag:s20] =	ssyncset.done $0x0  }
0x65: {  	[sflag:s20] =	ssyncadd.s32 $0xFFFFC000  }
0x66: {  	[hbm4b:s11+s2] =	stream.linear.scatter [tilespmem:s19], [sflag:$0x2], $0x4000, $0x38;
	[tilespmem:$0x18100] =	vst v63  }
0x67: {  	_ =	swait.ge [sflag:s20], $0x4000  }
0x68: {  	[sflag:s20] =	ssyncset.done $0x0  }
0x69: {  	[sflag:s20] =	ssyncadd.s32 $0xFFFFC000  }
0x6a: {  	[tilespmem:s19], [sflag:$0x2] =	stream.linear.gather [spmem:s7], $0x4000, $0x38;
	[tilespmem:$0x18100] =	vst v63  }
0x6b: {  	_ =	swait.ge [sflag:s20], $0x4000  }
0x6c: {  	[sflag:s20] =	ssyncset.done $0x0  }
0x6d: {  	[sflag:s20] =	ssyncadd.s32 $0xFFFFC000  }
0x6e: {  	[hbm4b:s12+s2] =	stream.linear.scatter [tilespmem:s19], [sflag:$0x2], $0x4000, $0x38;
	[tilespmem:$0x18100] =	vst v63  }
0x6f: {  	_ =	swait.ge [sflag:s20], $0x4000  }
0x70: {  	[sflag:s20] =	ssyncset.done $0x0  }
0x71: {  	[sflag:s20] =	ssyncadd.s32 $0xFFFFC000  }
0x72: {  	[tilespmem:s19], [sflag:$0x2] =	stream.linear.gather [spmem:s8], $0x4000, $0x38;
	[tilespmem:$0x18100] =	vst v63  }
0x73: {  	_ =	swait.ge [sflag:s20], $0x4000  }
0x74: {  	[sflag:s20] =	ssyncset.done $0x0  }
0x75: {  	[sflag:s20] =	ssyncadd.s32 $0xFFFFC000  }
0x76: {  	[hbm4b:s13+s2] =	stream.linear.scatter [tilespmem:s19], [sflag:$0x2], $0x4000, $0x38;
	[tilespmem:$0x18100] =	vst v63  }
0x77: {  	_ =	swait.ge [sflag:s20], $0x4000  }
0x78: {  	[sflag:s20] =	ssyncset.done $0x0  }
0x79: {  	[sflag:s20] =	ssyncadd.s32 $0xFFFFC000  }
0x7a: {  	[tilespmem:s19], [sflag:$0x2] =	stream.linear.gather [spmem:s9], $0x4000, $0x38;
	[tilespmem:$0x18100] =	vst v63  }
0x7b: {  	_ =	swait.ge [sflag:s20], $0x4000  }
0x7c: {  	[sflag:s20] =	ssyncset.done $0x0  }
0x7d: {  	[sflag:s20] =	ssyncadd.s32 $0xFFFFC000  }
0x7e: {  	[hbm4b:s14+s2] =	stream.linear.scatter [tilespmem:s19], [sflag:$0x2], $0x4000, $0x38;
	[tilespmem:$0x18100] =	vst v63  }
0x7f: {  	_ =	swait.ge [sflag:s20], $0x4000  }
0x80: {  	[sflag:s20] =	ssyncset.done $0x0  }
0x81: {  	[sflag:s20] =	ssyncadd.s32 $0xFFFFC000  }
0x82: {  	[tilespmem:s19], [sflag:$0x2] =	stream.linear.gather [spmem:s10], $0x4000, $0x38;
	[tilespmem:$0x18100] =	vst v63  }
0x83: {  	s21 =	sadd.s32 $0x1, s21;
	_ =	swait.ge [sflag:s20], $0x4000  }
0x84: {  	p0 =	sne.s32 s21, s16;
	[sflag:s20] =	ssyncset.done $0x0  }
.Ltmp1:
0x85: {  	[sflag:s20] =	ssyncadd.s32 $0xFFFFC000;
	(pc) =	sbr.rel @p0 .LBB2_1-.Ltmp1, $4  }
0x86: {  	[hbm4b:s15+s2] =	stream.linear.scatter [tilespmem:s19], [sflag:$0x2], $0x4000, $0x38;
	[tilespmem:$0x18100] =	vst v63  }
0x87: {  	_ =	swait.ge [sflag:s20], $0x4000  }
0x88: {  	[sflag:s20] =	ssyncset.done $0x0  }
0x89: {  	[sflag:s20] =	ssyncadd.s32 $0xFFFFC000  }
0x8a: {  	_ =	sfence.sel $0x180000  }
0x8b: {  	[bflag:$0x0] =	sbarrier.arrive $0xFFFF  }
0x8c: {  	p0 =	sne.s32 s3, $0x0;
	_ =	strace $0x9000004A  }
0x8d: {  	s0 =	sadd.s32 @!p0 $0x100000, s0;
	[bflag:$0x2] =	sbarrier.arrive $0xFFFF  }
0x8e: {  	[sflag:s0] =	ssyncadd.tile.s32 @!p0 $0x1;
	_ =	shalt  }
.Lfunc_end2:
_tile_overlayer_lowered:
.L_overlay_start_2:
0x8f: {  	(tag) =	ssettag $0x2  }
0x90: {  	s0 =	rddreg [dreg:$0x0];
	s2 =	stileid.u32  }
0x91: {  	s1 =	rddreg [dreg:$0x1];
	p0 =	sne.s32 s2, $0x0  }
0x92: {  	s3 =	rddreg [dreg:$0x2];
	[bflag:$0x3] =	sbarrier.arrive $0xFFFF;
	s2 =	simm.s32 @!p0 $0x1C02  }
0x93: {  	[timem:s3], [sflag:s2] =	dma.local @!p0 [hbm:s0], s1  }
0x94: {  	s0 =	simm.s32 @!p0 $0x2  }
0x95: {  	_ =	swait.ge @!p0 [sflag:s0], s1  }
0x96: {  	s1 =	ssub.s32 @!p0 $0x0, s1;
	[sflag:s0] =	ssyncset.done @!p0 $0x0  }
0x97: {  	[sflag:s0] =	ssyncadd.s32 @!p0 s1  }
0x98: {  	[bflag:$0x3] =	sbarrier.arrive $0xFFFF  }
0x99: {  	_ =	shalt  }

// kernel: kernel.14.cloned.1.call-start
scs
__scs_entry_jumppad:
0x0: {  	(pc) =	sbr.rel $0x88, $3  }
0x1: {  	(tag) =	ssettag $0x0;
	lr =	simm.s32 $0x1  }
0x2: {  	[smem:$0x3F98] =	sst lr;
	_ =	strace $0xD0000000  }
0x3: {  	_ = 	snop  }
0x4: {  	_ = 	snop  }
0x5: {  	_ = 	snop  }
0x6: {  	_ = 	snop  }
0x7: {  	_ = 	snop  }
__scs_overlays_trampoline_lowered:
0x8: {  	[smem:$0x3FA7] =	sst s0  }
0x9: {  	[smem:$0x3FA8] =	sst s1  }
0xa: {  	[smem:$0x3FA9] =	sst s2  }
0xb: {  	[smem:$0x3FAA] =	sst s3  }
0xc: {  	[smem:$0x3FAB] =	sst s4  }
0xd: {  	[smem:$0x3FAC] =	sst s5  }
0xe: {  	[smem:$0x3FAD] =	sst s6  }
0xf: {  	[smem:$0x3FAE] =	sst s7  }
0x10: {  	[smem:$0x3FAF] =	sst s8  }
0x11: {  	[smem:$0x3FB0] =	sst s9;
	s0 =	simm.s32 @!p0 $0x0  }
0x12: {  	s1 =	sld [smem:$0x3F96];
	s0 =	simm.s32 @p0 $0x1  }
0x13: {  	[smem:$0x3FB1] =	sst s0;
	s0 =	simm.s32 @!p1 $0x0  }
0x14: {  	s2 =	sld [smem:$0x3F95];
	s0 =	simm.s32 @p1 $0x1  }
0x15: {  	[smem:$0x3FB2] =	sst s0;
	s0 =	simm.s32 @!p2 $0x0  }
0x16: {  	s3 =	sld [smem:$0x3FDB];
	s0 =	simm.s32 @p2 $0x1  }
0x17: {  	s4 =	simm.s32 $0x1BF5;
	[smem:$0x3FB4] =	sst s0  }
0x18: {  	s0 =	sld [smem:$0x3F97];
	_ =	swait.ge [sflag:s4], $0x0  }
0x19: {  	s7 =	sld [smem:$0x3F98]  }
0x1a: {  	s8 =	sadd.s32 $0xFFFFE003, lr  }
0x1b: {  	s9 =	sadd.s32 $0xFFFFFEF7, lr;
	s5 =	simm.s32 $0xFFFFFFFF;
	p2 =	slt.u32 s8, $0xFFFFF086  }
0x1c: {  	p1 =	slt.u32 s9, $0xF7A;
	s5 =	simm.s32 @!p2 $0x0  }
0x1d: {  	s5 =	simm.s32 @p1 $0x1;
	p0 =	seq.s32 s7, s2  }
0x1e: {  	s7 =	smul.u32 @!p0 $0xF7A, s2;
	p2 =	seq.s32 @!p0 s5, $0x0  }
0x1f: {  	s9 =	smul.u32 $0xF7A, s1;
	s8 =	simm.s32 @!p0 $0x1BF5;
	p2 =	por !p2, p0  }
0x20: {  	[sflag:s8] =	ssyncset.s32 @!p0 $0xFFFFF086;
	s6 =	sadd.s32 @!p0 s3, s7;
	s7 =	simm.s32 @!p0 $0x108  }
0x21: {  	s3 =	sadd.s32 s3, s9;
	s6 =	sadd.s32 @!p0 $0x88, s6;
	s7 =	simm.s32 @p2 $0x1082  }
0x22: {  	[simem:s7], [sflag:s8] =	dma.local @!p0 [hbm:s6], $0xF7A  }
0x23: {  	s9 =	sor.u32 $0xD0000000, s2;
	s6 =	simm.s32 $0x108;
	_ =	swait.ge @!p0 [sflag:s8], $0x0  }
0x24: {  	s3 =	sadd.s32 $0x88, s3;
	s6 =	simm.s32 @!p1 $0x1082;
	[sflag:s4] =	ssyncset.s32 $0xFFFFF086  }
0x25: {  	[simem:s6], [sflag:s4] =	dma.local [hbm:s3], $0xF7A  }
0x26: {  	[smem:$0x3F98] =	sst s1;
	(tag) =	ssettag s2;
	_ =	strace s9  }
0x27: {  	s1 =	sld [smem:$0x3FA8]  }
0x28: {  	s2 =	sld [smem:$0x3FA9]  }
0x29: {  	s4 =	sld [smem:$0x3FAB]  }
0x2a: {  	p0 =	seq.s32 s5, $0x0;
	s5 =	sld [smem:$0x3FAC]  }
0x2b: {  	s6 =	sld [smem:$0x3FAD]  }
0x2c: {  	s7 =	sld [smem:$0x3FAE]  }
0x2d: {  	s3 =	simm.s32 $0x108;
	s8 =	sld [smem:$0x3FAF]  }
0x2e: {  	s3 =	simm.s32 @!p0 $0x1082;
	s9 =	sld [smem:$0x3FB0]  }
0x2f: {  	lr =	sadd.s32 s0, s3;
	s0 =	sld [smem:$0x3FA7]  }
0x30: {  	s3 =	sld [smem:$0x3FAA]  }
0x31: {  	[smem:$0x3FB3] =	sst s10  }
0x32: {  	s10 =	sld [smem:$0x3FB1];
	_ =	sdelay $0x3  }
0x33: {  	p0 =	seq.s32 s10, $0x1;
	s10 =	sld [smem:$0x3FB3];
	_ =	sdelay $0x3  }
0x34: {  	[smem:$0x3FB3] =	sst s10  }
0x35: {  	s10 =	sld [smem:$0x3FB2];
	_ =	sdelay $0x3  }
0x36: {  	p1 =	seq.s32 s10, $0x1;
	s10 =	sld [smem:$0x3FB3];
	_ =	sdelay $0x3  }
0x37: {  	[smem:$0x3FB3] =	sst s10  }
0x38: {  	s10 =	sld [smem:$0x3FB4]  }
0x39: {  	_ = 	snop;
	(pc) =	sbr.ind lr, $3  }
0x3a: {  	_ = 	snop  }
0x3b: {  	_ = 	snop  }
0x3c: {  	p2 =	seq.s32 s10, $0x1;
	s10 =	sld [smem:$0x3FB3]  }
0x3d: {  	_ =	shalt  }
0x3e: {  	_ =	shalt  }
0x3f: {  	_ =	shalt  }
0x40: {  	_ =	shalt  }
0x41: {  	_ =	shalt  }
0x42: {  	_ =	shalt  }
0x43: {  	_ =	shalt  }
0x44: {  	_ =	shalt  }
0x45: {  	_ =	shalt  }
0x46: {  	_ =	shalt  }
0x47: {  	_ =	shalt  }
0x48: {  	_ =	shalt  }
0x49: {  	_ =	shalt  }
0x4a: {  	_ =	shalt  }
0x4b: {  	_ =	shalt  }
0x4c: {  	_ =	shalt  }
0x4d: {  	_ =	shalt  }
0x4e: {  	_ =	shalt  }
0x4f: {  	_ =	shalt  }
0x50: {  	_ =	shalt  }
0x51: {  	_ =	shalt  }
0x52: {  	_ =	shalt  }
0x53: {  	_ =	shalt  }
0x54: {  	_ =	shalt  }
0x55: {  	_ =	shalt  }
0x56: {  	_ =	shalt  }
0x57: {  	_ =	shalt  }
0x58: {  	_ =	shalt  }
0x59: {  	_ =	shalt  }
0x5a: {  	_ =	shalt  }
0x5b: {  	_ =	shalt  }
0x5c: {  	_ =	shalt  }
0x5d: {  	_ =	shalt  }
0x5e: {  	_ =	shalt  }
0x5f: {  	_ =	shalt  }
0x60: {  	_ =	shalt  }
0x61: {  	_ =	shalt  }
0x62: {  	_ =	shalt  }
0x63: {  	_ =	shalt  }
0x64: {  	_ =	shalt  }
0x65: {  	_ =	shalt  }
0x66: {  	_ =	shalt  }
0x67: {  	_ =	shalt  }
0x68: {  	_ =	shalt  }
0x69: {  	_ =	shalt  }
0x6a: {  	_ =	shalt  }
0x6b: {  	_ =	shalt  }
0x6c: {  	_ =	shalt  }
0x6d: {  	_ =	shalt  }
0x6e: {  	_ =	shalt  }
0x6f: {  	_ =	shalt  }
0x70: {  	_ =	shalt  }
0x71: {  	_ =	shalt  }
0x72: {  	_ =	shalt  }
0x73: {  	_ =	shalt  }
0x74: {  	_ =	shalt  }
0x75: {  	_ =	shalt  }
0x76: {  	_ =	shalt  }
0x77: {  	_ =	shalt  }
0x78: {  	_ =	shalt  }
0x79: {  	_ =	shalt  }
0x7a: {  	_ =	shalt  }
0x7b: {  	_ =	shalt  }
0x7c: {  	_ =	shalt  }
0x7d: {  	_ =	shalt  }
0x7e: {  	_ =	shalt  }
0x7f: {  	_ =	shalt  }
0x80: {  	_ =	shalt  }
0x81: {  	_ =	shalt  }
0x82: {  	_ =	shalt  }
0x83: {  	_ =	shalt  }
0x84: {  	_ =	shalt  }
0x85: {  	_ =	shalt  }
0x86: {  	_ =	shalt  }
0x87: {  	_ =	shalt  }
.Lfunc_end0:
.L_simem_size_0:
called_computation.2_lowered:
.L_overlay_start_0:
0x88: {  	s2 =	sld [smem:$0x3FD9]  }
0x89: {  	s3 =	sld [smem:$0x3FFE];
	_ =	sdelay $0x1  }
0x8a: {  	s1 =	srdreg.scid  }
0x8b: {  	s0 =	sand.u32 $0x1, s1  }
0x8c: {  	s17 =	sshll.u32 s0, $0xA;
	s2 =	sadd.s32 s3, s2  }
0x8d: {  	s2 =	sadd.s32 s2, s17  }
0x8e: {  	[smem:$0x3FBF] =	sst s2  }
0x8f: {  	_ = 	snop  }
0x90: {  	s2 =	sld [smem:$0x3FD0];
	(tm) =	ssettm $0x1  }
0x91: {  	s18 =	sld [smem:$0x3FFB];
	_ =	sdelay $0x3  }
0x92: {  	_ =	strace s18  }
0x93: {  	s3 =	sld [smem:$0x3FFC];
	_ =	sdelay $0x3  }
0x94: {  	_ =	strace s3  }
0x95: {  	s3 =	sld [smem:$0x3FFD];
	_ =	sdelay $0x3  }
0x96: {  	_ =	strace s3  }
0x97: {  	_ =	strace $0x8FFFFFFF  }
0x98: {  	s19 =	sld [smem:$0x3FDB];
	_ =	sdelay $0x1  }
0x99: {  	s4 =	simm.s32 $_scs_section_size  }
0x9a: {  	s5 =	simm.s32 $_size__tile_overlayer_lowered;
	s6 =	simm.s32 $_tile_overlayer_lowered  }
0x9b: {  	s22 =	simm.s32 $0x1BFF;
	s21 =	sshll.u32 s6, $0x1;
	s3 =	sadd.s32 s4, s19  }
0x9c: {  	s7 =	simm.s32 $0x0;
	s20 =	sshll.u32 s5, $0x1;
	s5 =	sadd.s32 s21, s3  }
0x9d: {  	[timem:s7], [sflag:s22] =	dma.local [hbm:s5], s20  }
0x9e: {  	_ =	swait.ge [sflag:s22], s20  }
0x9f: {  	s4 =	ssub.s32 $0x0, s20;
	[sflag:s22] =	ssyncset.done $0x0  }
0xa0: {  	[sflag:s22] =	ssyncadd.s32 s4;
	_ =	sdelay $0x1  }
0xa1: {  	s23 =	simm.s32 $0x1B8B  }
0xa2: {  	_ =	swait.ge [sflag:s23], $0x1  }
0xa3: {  	[sflag:s23] =	ssyncset.done $0x0  }
0xa4: {  	s25 =	simm.s32 $0x1B8E;
	s24 =	sld [smem:$0x3FFE];
	[sflag:s23] =	ssyncadd.s32 $0xFFFFFFFF  }
0xa5: {  	s26 =	simm.s32 $execute0_lowered;
	[smem:$0x3FD2] =	sst s25  }
0xa6: {  	s5 =	sshll.u32 s26, $0x1;
	_ =	strace $0x8000004C;
	[dreg:$0x1] =	wrdreg $0xFFFFFFFF  }
0xa7: {  	s28 =	simm.s32 $_size_execute0_lowered;
	s3 =	sadd.s32 s3, s5;
	[dreg:$0x0] =	wrdreg $0x0  }
0xa8: {  	s5 =	sshll.u32 s28, $0x1;
	[dreg:$0x2] =	wrdreg s3  }
0xa9: {  	[dreg:$0x3] =	wrdreg s5  }
0xaa: {  	[dreg:$0x4] =	wrdreg $0xC0  }
0xab: {  	_ =	task [dreg:s7], $0x5FFFF  }
0xac: {  	[dreg:$0x1] =	wrdreg $0xFFFFFFFF  }
0xad: {  	[dreg:$0x0] =	wrdreg $0x60  }
0xae: {  	[dreg:$0x2] =	wrdreg s24  }
0xaf: {  	[dreg:$0x3] =	wrdreg s2  }
0xb0: {  	[dreg:$0x4] =	wrdreg $0x41000  }
0xb1: {  	[dreg:$0x5] =	wrdreg $0x9  }
0xb2: {  	_ =	task.clear_ibuf [dreg:s7], $0x6FFFF;
	_ =	strace $0x9000004C  }
0xb3: {  	s29 =	simm.s32 $0x9;
	_ =	strace $0x8000004E  }
0xb4: {  	_ =	swait.ge [sflag:s29], $0x1  }
0xb5: {  	[sflag:s29] =	ssyncadd.s32 $0xFFFFFFFF  }
0xb6: {  	_ =	strace $0x9000004E  }
0xb7: {  	_ =	sfence  }
0xb8: {  	s30 =	sld [smem:$0x0];
	_ =	sdelay $0x2  }
0xb9: {  	s31 =	sshll.u32 s1, $0xD;
	s1 =	sshrl.u32 s1, $0x2  }
0xba: {  	s3 =	sand.u32 $0x4000, s31;
	s1 =	sadd.s32 s1, s30  }
0xbb: {  	s0 =	sor.u32 s3, s0;
	s1 =	sshll.u32 s1, $0x11  }
0xbc: {  	s0 =	sor.u32 s1, s0  }
0xbd: {  	s0 =	sadd.s32 $0x8F2B, s0  }
0xbe: {  	[sflag:s0] =	ssyncadd.remote.s32 $0x1  }
0xbf: {  	_ =	sfence.sel $0xFFFF  }
0xc0: {  	[dreg:$0x0] =	wrdreg $0xFFFFFFFF;
	(pc) =	sbr.abs _section_cstart, $3  }
0xc1: {  	[dreg:$0x1] =	wrdreg $0xFFFFFFFF  }
0xc2: {  	_ =	task.clear_ibuf [dreg:s7], $0x2FFFF;
	_ =	strace $0x9FFFFFFF  }
0xc3: {  	(tm) =	ssettm $0x7FFFFFFF  }
tec
execute0_lowered:
.L_overlay_start_1:
0x0: {  	(tag) =	ssettag $0x1  }
0x1: {  	s6 =	rddreg [dreg:$0x0]  }
0x2: {  	s16 =	rddreg [dreg:$0x1]  }
0x3: {  	s1 =	rddreg [dreg:$0x2]  }
0x4: {  	s0 =	rddreg [dreg:$0x3];
	s2 =	simm.s32 $0x0;
	s3 =	srdreg.scid  }
0x5: {  	[smem:$0x7FF] =	sst s2;
	s7 =	sand.u32 $0x1, s3  }
0x6: {  	s3 =	stileid.u32;
	s17 =	smul.u32 $0x4E20, s7  }
0x7: {  	s4 =	sadd.s32 $0x1E00, s6;
	s5 =	sadd.s32 $0x29000, s6;
	s8 =	smul.u32 $0x50000, s3  }
0x8: {  	s15 =	sadd.s32 $0x29800, s6;
	_ =	strace $0x8000004D;
	s11 =	smul.u32 $0x14000, s3  }
0x9: {  	s9 =	ssub.s32 $0x2, s7;
	s14 =	smul.u32 $0x140000, s7;
	s31 =	sshll.u32 s3, $0x4  }
0xa: {  	s10 =	sshrl.u32 s9, $0x1;
	s18 =	sadd.s32 s17, s6;
	s8 =	sshrl.u32 s8, $0x2  }
0xb: {  	s19 =	ssub.s32 s9, s10;
	s12 =	sadd.s32 $0x4000, s11;
	s13 =	sadd.s32 $0x8000, s11  }
0xc: {  	s20 =	sadd.s32 $0xC000, s11;
	s21 =	sadd.s32 $0x10000, s11;
	s11 =	sadd.s32 s11, s14  }
0xd: {  	s17 =	sadd.s32 s17, s16;
	s6 =	sadd.s32 s8, s1;
	s7 =	sadd.s32 s12, s1  }
0xe: {  	s8 =	sadd.s32 s13, s1;
	s9 =	sadd.s32 s20, s1;
	s10 =	sadd.s32 s21, s1  }
0xf: {  	s11 =	sshrl.u32 s11, $0x3;
	s12 =	sadd.s32 s14, s12;
	s13 =	sadd.s32 s14, s13  }
0x10: {  	s20 =	sadd.s32 s14, s20;
	s21 =	sadd.s32 s14, s21;
	s18 =	sadd.s32 s31, s18  }
0x11: {  	s16 =	smax.u32 s19, $0x1;
	s17 =	sadd.s32 s31, s17;
	s19 =	simm.s32 $0x100  }
0x12: {  	s11 =	sadd.s32 s15, s11;
	s12 =	sshrl.u32 s12, $0x3;
	s13 =	sshrl.u32 s13, $0x3  }
0x13: {  	s20 =	sshrl.u32 s20, $0x3;
	s30 =	sshrl.u32 s21, $0x3;
	s18 =	sadd.s32 $0x535000, s18  }
0x14: {  	s21 =	simm.s32 $0x0;
	s12 =	sadd.s32 s15, s12;
	s13 =	sadd.s32 s15, s13  }
0x15: {  	s14 =	sadd.s32 s15, s20;
	s15 =	sadd.s32 s15, s30;
	s20 =	simm.s32 $0x2  }
.LBB2_1:
0x16: {  	[tilespmem:s19], [sflag:$0x2] =	stream.linear.gather [hbm4b:s5+s2], $0x4000, $0x38;
	[tilespmem:$0x18100] =	vst v63  }
0x17: {  	_ =	swait.ge [sflag:s20], $0x4000  }
0x18: {  	[sflag:s20] =	ssyncset.done $0x0  }
0x19: {  	[sflag:s20] =	ssyncadd.s32 $0xFFFFC000  }
0x1a: {  	[spmem:s6] =	stream.linear.scatter [tilespmem:s19], [sflag:$0x2], $0x4000, $0x38;
	[tilespmem:$0x18100] =	vst v63  }
0x1b: {  	_ =	swait.ge [sflag:s20], $0x4000  }
0x1c: {  	[sflag:s20] =	ssyncset.done $0x0  }
0x1d: {  	[sflag:s20] =	ssyncadd.s32 $0xFFFFC000  }
0x1e: {  	[spmem:s7] =	stream.linear.scatter [tilespmem:s19], [sflag:$0x2], $0x4000, $0x38;
	[tilespmem:$0x18100] =	vst v63  }
0x1f: {  	_ =	swait.ge [sflag:s20], $0x4000  }
0x20: {  	[sflag:s20] =	ssyncset.done $0x0  }
0x21: {  	[sflag:s20] =	ssyncadd.s32 $0xFFFFC000  }
0x22: {  	[spmem:s8] =	stream.linear.scatter [tilespmem:s19], [sflag:$0x2], $0x4000, $0x38;
	[tilespmem:$0x18100] =	vst v63  }
0x23: {  	_ =	swait.ge [sflag:s20], $0x4000  }
0x24: {  	[sflag:s20] =	ssyncset.done $0x0  }
0x25: {  	[sflag:s20] =	ssyncadd.s32 $0xFFFFC000  }
0x26: {  	[spmem:s9] =	stream.linear.scatter [tilespmem:s19], [sflag:$0x2], $0x4000, $0x38;
	[tilespmem:$0x18100] =	vst v63  }
0x27: {  	_ =	swait.ge [sflag:s20], $0x4000  }
0x28: {  	[sflag:s20] =	ssyncset.done $0x0  }
0x29: {  	[sflag:s20] =	ssyncadd.s32 $0xFFFFC000  }
0x2a: {  	[spmem:s10] =	stream.linear.scatter [tilespmem:s19], [sflag:$0x2], $0x4000, $0x38;
	[tilespmem:$0x18100] =	vst v63  }
0x2b: {  	_ =	swait.ge [sflag:s20], $0x4000  }
0x2c: {  	p0 =	sgt.u32 s3, $0x4E1;
	[sflag:s20] =	ssyncset.done $0x0  }
0x2d: {  	s22 =	sadd.s32 @!p0 $0x0, s18;
	[sflag:s20] =	ssyncadd.s32 $0xFFFFC000  }
0x2e: {  	s23 =	simm.s32 @!p0 $0x0;
	s24 =	simm.s32 @!p0 $0x3;
	[bflag:$0x0] =	sbarrier.arrive $0xFFFF  }
0x2f: {  	[tilespmem:s23], [sflag:$0x3] =	stream.linear.gather @!p0 [hbm4b:s22+s23], $0x80, $0x38;
	[tilespmem:$0x18100] =	vst v63  }
0x30: {  	_ =	swait.ge @!p0 [sflag:s24], $0x80;
	p0 =	por p0, p0  }
0x31: {  	[sflag:s24] =	ssyncset.done @!p0 $0x0  }
0x32: {  	s22 =	sadd.s32 @!p0 $0x0, s17;
	s25 =	simm.s32 @!p0 $0x80;
	[sflag:s24] =	ssyncadd.s32 @!p0 $0xFFFFFF80  }
0x33: {  	[tilespmem:s25], [sflag:$0x3] =	stream.linear.gather @!p0 [hbm4b:s22+s23], $0x80, $0x38;
	[tilespmem:$0x18100] =	vst v63  }
0x34: {  	_ =	swait.ge @!p0 [sflag:s24], $0x80  }
0x35: {  	[sflag:s24] =	ssyncset.done @!p0 $0x0  }
0x36: {  	s22 =	simm.s32 @!p0 $0x100;
	[sflag:s24] =	ssyncadd.s32 @!p0 $0xFFFFFF80;
	s24 =	simm.s32 @!p0 $0x1  }
0x37: {  	[tilespmem:s22], [sflag:$0x1] =	stream.indirect.gather @!p0 [hbm4b:s4+s25], $0x80, s23, s25, $0xb8;
	[tilespmem:$0x18100] =	vst v63  }
0x38: {  	_ =	swait.ge @!p0 [sflag:s24], $0x4000  }
0x39: {  	[sflag:s24] =	ssyncset.done @!p0 $0x0  }
0x3a: {  	s23 =	sadd.s32 $0x10, s3;
	[sflag:s24] =	ssyncadd.s32 @!p0 $0xFFFFC000  }
0x3b: {  	[spmem:s1] =	stream.indirect.scatter.add.f32 @!p0 [tilespmem:s22], [sflag:$0x2], $0x80, s25, s25, $0xb8;
	[tilespmem:$0x18100] =	vst v63  }
0x3c: {  	p2 =	sgt.u32 s23, $0x4E1;
	s25 =	simm.s32 @!p0 $0x2  }
0x3d: {  	s24 =	simm.s32 $0x200;
	s22 =	simm.s32 $0x100;
	_ =	swait.ge @!p0 [sflag:s25], $0x4000  }
.LBB2_2:
0x3e: {  	s26 =	sadd.s32 @!p2 s22, s18  }
0x3f: {  	s28 =	simm.s32 @!p2 $0x0;
	[sflag:s25] =	ssyncset.done @!p0 $0x0;
	s29 =	smov.u32 s24  }
0x40: {  	s24 =	sadd.s32 $0x100, s24;
	s30 =	simm.s32 @!p2 $0x3;
	[sflag:s25] =	ssyncadd.s32 @!p0 $0xFFFFC000  }
0x41: {  	[tilespmem:s28], [sflag:$0x3] =	stream.linear.gather @!p2 [hbm4b:s26+s28], $0x80, $0x38;
	[tilespmem:$0x18100] =	vst v63  }
0x42: {  	p1 =	sne.s32 s24, $0x4F00;
	p0 =	por p2, p2;
	_ =	swait.ge @!p2 [sflag:s30], $0x80  }
0x43: {  	[sflag:s30] =	ssyncset.done @!p0 $0x0  }
0x44: {  	s22 =	sadd.s32 @!p0 s22, s17;
	s26 =	simm.s32 @!p0 $0x80;
	[sflag:s30] =	ssyncadd.s32 @!p0 $0xFFFFFF80  }
0x45: {  	[tilespmem:s26], [sflag:$0x3] =	stream.linear.gather @!p0 [hbm4b:s22+s28], $0x80, $0x38;
	[tilespmem:$0x18100] =	vst v63  }
0x46: {  	s22 =	smov.u32 s29;
	_ =	swait.ge @!p0 [sflag:s30], $0x80  }
0x47: {  	[sflag:s30] =	ssyncset.done @!p0 $0x0  }
0x48: {  	s25 =	simm.s32 @!p0 $0x1;
	s29 =	simm.s32 @!p0 $0x100;
	[sflag:s30] =	ssyncadd.s32 @!p0 $0xFFFFFF80  }
0x49: {  	[tilespmem:s29], [sflag:$0x1] =	stream.indirect.gather @!p0 [hbm4b:s4+s26], $0x80, s28, s26, $0xb8;
	[tilespmem:$0x18100] =	vst v63  }
.Ltmp0:
0x4a: {  	_ =	swait.ge @!p0 [sflag:s25], $0x4000;
	(pc) =	sbr.rel @p1 .LBB2_2-.Ltmp0, $4  }
0x4b: {  	[sflag:s25] =	ssyncset.done @!p0 $0x0  }
0x4c: {  	s23 =	sadd.s32 $0x10, s23;
	[sflag:s25] =	ssyncadd.s32 @!p0 $0xFFFFC000;
	s25 =	simm.s32 @!p0 $0x2  }
0x4d: {  	[spmem:s1] =	stream.indirect.scatter.add.f32 @!p0 [tilespmem:s29], [sflag:$0x2], $0x80, s26, s26, $0xb8;
	[tilespmem:$0x18100] =	vst v63  }
0x4e: {  	p2 =	sgt.u32 s23, $0x4E1;
	_ =	swait.ge @!p0 [sflag:s25], $0x4000  }
0x4f: {  	s23 =	sadd.s32 @!p2 s22, s18;
	[sflag:s25] =	ssyncset.done @!p0 $0x0  }
0x50: {  	s24 =	simm.s32 @!p2 $0x0;
	s26 =	simm.s32 @!p2 $0x3;
	[sflag:s25] =	ssyncadd.s32 @!p0 $0xFFFFC000  }
0x51: {  	[tilespmem:s24], [sflag:$0x3] =	stream.linear.gather @!p2 [hbm4b:s23+s24], $0x80, $0x38;
	[tilespmem:$0x18100] =	vst v63  }
0x52: {  	p0 =	por p2, p2;
	_ =	swait.ge @!p2 [sflag:s26], $0x80  }
0x53: {  	[sflag:s26] =	ssyncset.done @!p0 $0x0  }
0x54: {  	s22 =	sadd.s32 @!p0 s22, s17;
	s23 =	simm.s32 @!p0 $0x80;
	[sflag:s26] =	ssyncadd.s32 @!p0 $0xFFFFFF80  }
0x55: {  	[tilespmem:s23], [sflag:$0x3] =	stream.linear.gather @!p0 [hbm4b:s22+s24], $0x80, $0x38;
	[tilespmem:$0x18100] =	vst v63  }
0x56: {  	_ =	swait.ge @!p0 [sflag:s26], $0x80  }
0x57: {  	[sflag:s26] =	ssyncset.done @!p0 $0x0  }
0x58: {  	s25 =	simm.s32 @!p0 $0x1;
	s22 =	simm.s32 @!p0 $0x100;
	[sflag:s26] =	ssyncadd.s32 @!p0 $0xFFFFFF80  }
0x59: {  	[tilespmem:s22], [sflag:$0x1] =	stream.indirect.gather @!p0 [hbm4b:s4+s23], $0x80, s24, s23, $0xb8;
	[tilespmem:$0x18100] =	vst v63  }
0x5a: {  	_ =	swait.ge @!p0 [sflag:s25], $0x4000  }
0x5b: {  	[sflag:s25] =	ssyncset.done @!p0 $0x0  }
0x5c: {  	s24 =	simm.s32 @!p0 $0x2;
	[sflag:s25] =	ssyncadd.s32 @!p0 $0xFFFFC000  }
0x5d: {  	[spmem:s1] =	stream.indirect.scatter.add.f32 @!p0 [tilespmem:s22], [sflag:$0x2], $0x80, s23, s23, $0xb8;
	[tilespmem:$0x18100] =	vst v63  }
0x5e: {  	_ =	swait.ge @!p0 [sflag:s24], $0x4000  }
0x5f: {  	[sflag:s24] =	ssyncset.done @!p0 $0x0  }
0x60: {  	[sflag:s24] =	ssyncadd.s32 @!p0 $0xFFFFC000  }
0x61: {  	[bflag:$0x0] =	sbarrier.arrive $0xFFFF  }
0x62: {  	[tilespmem:s19], [sflag:$0x2] =	stream.linear.gather [spmem:s6], $0x4000, $0x38;
	[tilespmem:$0x18100] =	vst v63  }
0x63: {  	_ =	swait.ge [sflag:s20], $0x4000  }
0x64: {  	[sflag:s20] =	ssyncset.done $0x0  }
0x65: {  	[sflag:s20] =	ssyncadd.s32 $0xFFFFC000  }
0x66: {  	[hbm4b:s11+s2] =	stream.linear.scatter [tilespmem:s19], [sflag:$0x2], $0x4000, $0x38;
	[tilespmem:$0x18100] =	vst v63  }
0x67: {  	_ =	swait.ge [sflag:s20], $0x4000  }
0x68: {  	[sflag:s20] =	ssyncset.done $0x0  }
0x69: {  	[sflag:s20] =	ssyncadd.s32 $0xFFFFC000  }
0x6a: {  	[tilespmem:s19], [sflag:$0x2] =	stream.linear.gather [spmem:s7], $0x4000, $0x38;
	[tilespmem:$0x18100] =	vst v63  }
0x6b: {  	_ =	swait.ge [sflag:s20], $0x4000  }
0x6c: {  	[sflag:s20] =	ssyncset.done $0x0  }
0x6d: {  	[sflag:s20] =	ssyncadd.s32 $0xFFFFC000  }
0x6e: {  	[hbm4b:s12+s2] =	stream.linear.scatter [tilespmem:s19], [sflag:$0x2], $0x4000, $0x38;
	[tilespmem:$0x18100] =	vst v63  }
0x6f: {  	_ =	swait.ge [sflag:s20], $0x4000  }
0x70: {  	[sflag:s20] =	ssyncset.done $0x0  }
0x71: {  	[sflag:s20] =	ssyncadd.s32 $0xFFFFC000  }
0x72: {  	[tilespmem:s19], [sflag:$0x2] =	stream.linear.gather [spmem:s8], $0x4000, $0x38;
	[tilespmem:$0x18100] =	vst v63  }
0x73: {  	_ =	swait.ge [sflag:s20], $0x4000  }
0x74: {  	[sflag:s20] =	ssyncset.done $0x0  }
0x75: {  	[sflag:s20] =	ssyncadd.s32 $0xFFFFC000  }
0x76: {  	[hbm4b:s13+s2] =	stream.linear.scatter [tilespmem:s19], [sflag:$0x2], $0x4000, $0x38;
	[tilespmem:$0x18100] =	vst v63  }
0x77: {  	_ =	swait.ge [sflag:s20], $0x4000  }
0x78: {  	[sflag:s20] =	ssyncset.done $0x0  }
0x79: {  	[sflag:s20] =	ssyncadd.s32 $0xFFFFC000  }
0x7a: {  	[tilespmem:s19], [sflag:$0x2] =	stream.linear.gather [spmem:s9], $0x4000, $0x38;
	[tilespmem:$0x18100] =	vst v63  }
0x7b: {  	_ =	swait.ge [sflag:s20], $0x4000  }
0x7c: {  	[sflag:s20] =	ssyncset.done $0x0  }
0x7d: {  	[sflag:s20] =	ssyncadd.s32 $0xFFFFC000  }
0x7e: {  	[hbm4b:s14+s2] =	stream.linear.scatter [tilespmem:s19], [sflag:$0x2], $0x4000, $0x38;
	[tilespmem:$0x18100] =	vst v63  }
0x7f: {  	_ =	swait.ge [sflag:s20], $0x4000  }
0x80: {  	[sflag:s20] =	ssyncset.done $0x0  }
0x81: {  	[sflag:s20] =	ssyncadd.s32 $0xFFFFC000  }
0x82: {  	[tilespmem:s19], [sflag:$0x2] =	stream.linear.gather [spmem:s10], $0x4000, $0x38;
	[tilespmem:$0x18100] =	vst v63  }
0x83: {  	s21 =	sadd.s32 $0x1, s21;
	_ =	swait.ge [sflag:s20], $0x4000  }
0x84: {  	p0 =	sne.s32 s21, s16;
	[sflag:s20] =	ssyncset.done $0x0  }
.Ltmp1:
0x85: {  	[sflag:s20] =	ssyncadd.s32 $0xFFFFC000;
	(pc) =	sbr.rel @p0 .LBB2_1-.Ltmp1, $4  }
0x86: {  	[hbm4b:s15+s2] =	stream.linear.scatter [tilespmem:s19], [sflag:$0x2], $0x4000, $0x38;
	[tilespmem:$0x18100] =	vst v63  }
0x87: {  	_ =	swait.ge [sflag:s20], $0x4000  }
0x88: {  	[sflag:s20] =	ssyncset.done $0x0  }
0x89: {  	[sflag:s20] =	ssyncadd.s32 $0xFFFFC000  }
0x8a: {  	_ =	sfence.sel $0x180000  }
0x8b: {  	[bflag:$0x0] =	sbarrier.arrive $0xFFFF  }
0x8c: {  	p0 =	sne.s32 s3, $0x0;
	_ =	strace $0x9000004D  }
0x8d: {  	s0 =	sadd.s32 @!p0 $0x100000, s0;
	[bflag:$0x2] =	sbarrier.arrive $0xFFFF  }
0x8e: {  	[sflag:s0] =	ssyncadd.tile.s32 @!p0 $0x1;
	_ =	shalt  }
.Lfunc_end2:
_tile_overlayer_lowered:
.L_overlay_start_2:
0x8f: {  	(tag) =	ssettag $0x2  }
0x90: {  	s0 =	rddreg [dreg:$0x0];
	s2 =	stileid.u32  }
0x91: {  	s1 =	rddreg [dreg:$0x1];
	p0 =	sne.s32 s2, $0x0  }
0x92: {  	s3 =	rddreg [dreg:$0x2];
	[bflag:$0x3] =	sbarrier.arrive $0xFFFF;
	s2 =	simm.s32 @!p0 $0x1C02  }
0x93: {  	[timem:s3], [sflag:s2] =	dma.local @!p0 [hbm:s0], s1  }
0x94: {  	s0 =	simm.s32 @!p0 $0x2  }
0x95: {  	_ =	swait.ge @!p0 [sflag:s0], s1  }
0x96: {  	s1 =	ssub.s32 @!p0 $0x0, s1;
	[sflag:s0] =	ssyncset.done @!p0 $0x0  }
0x97: {  	[sflag:s0] =	ssyncadd.s32 @!p0 s1  }
0x98: {  	[bflag:$0x3] =	sbarrier.arrive $0xFFFF  }
0x99: {  	_ =	shalt  }

// kernel: kernel.8.cloned.1.call-start
scs
__scs_entry_jumppad:
0x0: {  	(pc) =	sbr.rel $0x88, $3  }
0x1: {  	(tag) =	ssettag $0x0;
	lr =	simm.s32 $0x1  }
0x2: {  	[smem:$0x3F98] =	sst lr;
	_ =	strace $0xD0000000  }
0x3: {  	_ = 	snop  }
0x4: {  	_ = 	snop  }
0x5: {  	_ = 	snop  }
0x6: {  	_ = 	snop  }
0x7: {  	_ = 	snop  }
__scs_overlays_trampoline_lowered:
0x8: {  	[smem:$0x3FA7] =	sst s0  }
0x9: {  	[smem:$0x3FA8] =	sst s1  }
0xa: {  	[smem:$0x3FA9] =	sst s2  }
0xb: {  	[smem:$0x3FAA] =	sst s3  }
0xc: {  	[smem:$0x3FAB] =	sst s4  }
0xd: {  	[smem:$0x3FAC] =	sst s5  }
0xe: {  	[smem:$0x3FAD] =	sst s6  }
0xf: {  	[smem:$0x3FAE] =	sst s7  }
0x10: {  	[smem:$0x3FAF] =	sst s8  }
0x11: {  	[smem:$0x3FB0] =	sst s9;
	s0 =	simm.s32 @!p0 $0x0  }
0x12: {  	s1 =	sld [smem:$0x3F96];
	s0 =	simm.s32 @p0 $0x1  }
0x13: {  	[smem:$0x3FB1] =	sst s0;
	s0 =	simm.s32 @!p1 $0x0  }
0x14: {  	s2 =	sld [smem:$0x3F95];
	s0 =	simm.s32 @p1 $0x1  }
0x15: {  	[smem:$0x3FB2] =	sst s0;
	s0 =	simm.s32 @!p2 $0x0  }
0x16: {  	s3 =	sld [smem:$0x3FDB];
	s0 =	simm.s32 @p2 $0x1  }
0x17: {  	s4 =	simm.s32 $0x1BF5;
	[smem:$0x3FB4] =	sst s0  }
0x18: {  	s0 =	sld [smem:$0x3F97];
	_ =	swait.ge [sflag:s4], $0x0  }
0x19: {  	s7 =	sld [smem:$0x3F98]  }
0x1a: {  	s8 =	sadd.s32 $0xFFFFE003, lr  }
0x1b: {  	s9 =	sadd.s32 $0xFFFFFEF7, lr;
	s5 =	simm.s32 $0xFFFFFFFF;
	p2 =	slt.u32 s8, $0xFFFFF086  }
0x1c: {  	p1 =	slt.u32 s9, $0xF7A;
	s5 =	simm.s32 @!p2 $0x0  }
0x1d: {  	s5 =	simm.s32 @p1 $0x1;
	p0 =	seq.s32 s7, s2  }
0x1e: {  	s7 =	smul.u32 @!p0 $0xF7A, s2;
	p2 =	seq.s32 @!p0 s5, $0x0  }
0x1f: {  	s9 =	smul.u32 $0xF7A, s1;
	s8 =	simm.s32 @!p0 $0x1BF5;
	p2 =	por !p2, p0  }
0x20: {  	[sflag:s8] =	ssyncset.s32 @!p0 $0xFFFFF086;
	s6 =	sadd.s32 @!p0 s3, s7;
	s7 =	simm.s32 @!p0 $0x108  }
0x21: {  	s3 =	sadd.s32 s3, s9;
	s6 =	sadd.s32 @!p0 $0x88, s6;
	s7 =	simm.s32 @p2 $0x1082  }
0x22: {  	[simem:s7], [sflag:s8] =	dma.local @!p0 [hbm:s6], $0xF7A  }
0x23: {  	s9 =	sor.u32 $0xD0000000, s2;
	s6 =	simm.s32 $0x108;
	_ =	swait.ge @!p0 [sflag:s8], $0x0  }
0x24: {  	s3 =	sadd.s32 $0x88, s3;
	s6 =	simm.s32 @!p1 $0x1082;
	[sflag:s4] =	ssyncset.s32 $0xFFFFF086  }
0x25: {  	[simem:s6], [sflag:s4] =	dma.local [hbm:s3], $0xF7A  }
0x26: {  	[smem:$0x3F98] =	sst s1;
	(tag) =	ssettag s2;
	_ =	strace s9  }
0x27: {  	s1 =	sld [smem:$0x3FA8]  }
0x28: {  	s2 =	sld [smem:$0x3FA9]  }
0x29: {  	s4 =	sld [smem:$0x3FAB]  }
0x2a: {  	p0 =	seq.s32 s5, $0x0;
	s5 =	sld [smem:$0x3FAC]  }
0x2b: {  	s6 =	sld [smem:$0x3FAD]  }
0x2c: {  	s7 =	sld [smem:$0x3FAE]  }
0x2d: {  	s3 =	simm.s32 $0x108;
	s8 =	sld [smem:$0x3FAF]  }
0x2e: {  	s3 =	simm.s32 @!p0 $0x1082;
	s9 =	sld [smem:$0x3FB0]  }
0x2f: {  	lr =	sadd.s32 s0, s3;
	s0 =	sld [smem:$0x3FA7]  }
0x30: {  	s3 =	sld [smem:$0x3FAA]  }
0x31: {  	[smem:$0x3FB3] =	sst s10  }
0x32: {  	s10 =	sld [smem:$0x3FB1];
	_ =	sdelay $0x3  }
0x33: {  	p0 =	seq.s32 s10, $0x1;
	s10 =	sld [smem:$0x3FB3];
	_ =	sdelay $0x3  }
0x34: {  	[smem:$0x3FB3] =	sst s10  }
0x35: {  	s10 =	sld [smem:$0x3FB2];
	_ =	sdelay $0x3  }
0x36: {  	p1 =	seq.s32 s10, $0x1;
	s10 =	sld [smem:$0x3FB3];
	_ =	sdelay $0x3  }
0x37: {  	[smem:$0x3FB3] =	sst s10  }
0x38: {  	s10 =	sld [smem:$0x3FB4]  }
0x39: {  	_ = 	snop;
	(pc) =	sbr.ind lr, $3  }
0x3a: {  	_ = 	snop  }
0x3b: {  	_ = 	snop  }
0x3c: {  	p2 =	seq.s32 s10, $0x1;
	s10 =	sld [smem:$0x3FB3]  }
0x3d: {  	_ =	shalt  }
0x3e: {  	_ =	shalt  }
0x3f: {  	_ =	shalt  }
0x40: {  	_ =	shalt  }
0x41: {  	_ =	shalt  }
0x42: {  	_ =	shalt  }
0x43: {  	_ =	shalt  }
0x44: {  	_ =	shalt  }
0x45: {  	_ =	shalt  }
0x46: {  	_ =	shalt  }
0x47: {  	_ =	shalt  }
0x48: {  	_ =	shalt  }
0x49: {  	_ =	shalt  }
0x4a: {  	_ =	shalt  }
0x4b: {  	_ =	shalt  }
0x4c: {  	_ =	shalt  }
0x4d: {  	_ =	shalt  }
0x4e: {  	_ =	shalt  }
0x4f: {  	_ =	shalt  }
0x50: {  	_ =	shalt  }
0x51: {  	_ =	shalt  }
0x52: {  	_ =	shalt  }
0x53: {  	_ =	shalt  }
0x54: {  	_ =	shalt  }
0x55: {  	_ =	shalt  }
0x56: {  	_ =	shalt  }
0x57: {  	_ =	shalt  }
0x58: {  	_ =	shalt  }
0x59: {  	_ =	shalt  }
0x5a: {  	_ =	shalt  }
0x5b: {  	_ =	shalt  }
0x5c: {  	_ =	shalt  }
0x5d: {  	_ =	shalt  }
0x5e: {  	_ =	shalt  }
0x5f: {  	_ =	shalt  }
0x60: {  	_ =	shalt  }
0x61: {  	_ =	shalt  }
0x62: {  	_ =	shalt  }
0x63: {  	_ =	shalt  }
0x64: {  	_ =	shalt  }
0x65: {  	_ =	shalt  }
0x66: {  	_ =	shalt  }
0x67: {  	_ =	shalt  }
0x68: {  	_ =	shalt  }
0x69: {  	_ =	shalt  }
0x6a: {  	_ =	shalt  }
0x6b: {  	_ =	shalt  }
0x6c: {  	_ =	shalt  }
0x6d: {  	_ =	shalt  }
0x6e: {  	_ =	shalt  }
0x6f: {  	_ =	shalt  }
0x70: {  	_ =	shalt  }
0x71: {  	_ =	shalt  }
0x72: {  	_ =	shalt  }
0x73: {  	_ =	shalt  }
0x74: {  	_ =	shalt  }
0x75: {  	_ =	shalt  }
0x76: {  	_ =	shalt  }
0x77: {  	_ =	shalt  }
0x78: {  	_ =	shalt  }
0x79: {  	_ =	shalt  }
0x7a: {  	_ =	shalt  }
0x7b: {  	_ =	shalt  }
0x7c: {  	_ =	shalt  }
0x7d: {  	_ =	shalt  }
0x7e: {  	_ =	shalt  }
0x7f: {  	_ =	shalt  }
0x80: {  	_ =	shalt  }
0x81: {  	_ =	shalt  }
0x82: {  	_ =	shalt  }
0x83: {  	_ =	shalt  }
0x84: {  	_ =	shalt  }
0x85: {  	_ =	shalt  }
0x86: {  	_ =	shalt  }
0x87: {  	_ =	shalt  }
.Lfunc_end0:
.L_simem_size_0:
called_computation_lowered:
.L_overlay_start_0:
0x88: {  	s2 =	sld [smem:$0x3FD9]  }
0x89: {  	s3 =	sld [smem:$0x3FFE];
	_ =	sdelay $0x1  }
0x8a: {  	s1 =	srdreg.scid  }
0x8b: {  	s0 =	sand.u32 $0x1, s1  }
0x8c: {  	s17 =	sshll.u32 s0, $0xA;
	s2 =	sadd.s32 s3, s2  }
0x8d: {  	s2 =	sadd.s32 s2, s17  }
0x8e: {  	[smem:$0x3FBF] =	sst s2  }
0x8f: {  	_ = 	snop  }
0x90: {  	s2 =	sld [smem:$0x3FC7];
	(tm) =	ssettm $0x1  }
0x91: {  	s18 =	sld [smem:$0x3FFB];
	_ =	sdelay $0x3  }
0x92: {  	_ =	strace s18  }
0x93: {  	s3 =	sld [smem:$0x3FFC];
	_ =	sdelay $0x3  }
0x94: {  	_ =	strace s3  }
0x95: {  	s3 =	sld [smem:$0x3FFD];
	_ =	sdelay $0x3  }
0x96: {  	_ =	strace s3  }
0x97: {  	_ =	strace $0x8FFFFFFF  }
0x98: {  	s19 =	sld [smem:$0x3FDB];
	_ =	sdelay $0x1  }
0x99: {  	s4 =	simm.s32 $_scs_section_size  }
0x9a: {  	s5 =	simm.s32 $_size__tile_overlayer_lowered;
	s6 =	simm.s32 $_tile_overlayer_lowered  }
0x9b: {  	s22 =	simm.s32 $0x1BFF;
	s21 =	sshll.u32 s6, $0x1;
	s3 =	sadd.s32 s4, s19  }
0x9c: {  	s7 =	simm.s32 $0x0;
	s20 =	sshll.u32 s5, $0x1;
	s5 =	sadd.s32 s21, s3  }
0x9d: {  	[timem:s7], [sflag:s22] =	dma.local [hbm:s5], s20  }
0x9e: {  	_ =	swait.ge [sflag:s22], s20  }
0x9f: {  	s4 =	ssub.s32 $0x0, s20;
	[sflag:s22] =	ssyncset.done $0x0  }
0xa0: {  	[sflag:s22] =	ssyncadd.s32 s4;
	_ =	sdelay $0x1  }
0xa1: {  	s23 =	simm.s32 $0x1B8B  }
0xa2: {  	_ =	swait.ge [sflag:s23], $0x1  }
0xa3: {  	[sflag:s23] =	ssyncset.done $0x0  }
0xa4: {  	s25 =	simm.s32 $0x1B8E;
	s24 =	sld [smem:$0x3FFE];
	[sflag:s23] =	ssyncadd.s32 $0xFFFFFFFF  }
0xa5: {  	s26 =	simm.s32 $execute0_lowered;
	[smem:$0x3FD2] =	sst s25  }
0xa6: {  	s5 =	sshll.u32 s26, $0x1;
	_ =	strace $0x80000046;
	[dreg:$0x1] =	wrdreg $0xFFFFFFFF  }
0xa7: {  	s28 =	simm.s32 $_size_execute0_lowered;
	s3 =	sadd.s32 s3, s5;
	[dreg:$0x0] =	wrdreg $0x0  }
0xa8: {  	s5 =	sshll.u32 s28, $0x1;
	[dreg:$0x2] =	wrdreg s3  }
0xa9: {  	[dreg:$0x3] =	wrdreg s5  }
0xaa: {  	[dreg:$0x4] =	wrdreg $0xC0  }
0xab: {  	_ =	task [dreg:s7], $0x5FFFF  }
0xac: {  	[dreg:$0x1] =	wrdreg $0xFFFFFFFF  }
0xad: {  	[dreg:$0x0] =	wrdreg $0x60  }
0xae: {  	[dreg:$0x2] =	wrdreg s2  }
0xaf: {  	[dreg:$0x3] =	wrdreg s24  }
0xb0: {  	[dreg:$0x4] =	wrdreg $0x80800  }
0xb1: {  	[dreg:$0x5] =	wrdreg $0x9  }
0xb2: {  	_ =	task.clear_ibuf [dreg:s7], $0x6FFFF;
	_ =	strace $0x90000046  }
0xb3: {  	s29 =	simm.s32 $0x9;
	_ =	strace $0x80000048  }
0xb4: {  	_ =	swait.ge [sflag:s29], $0x1  }
0xb5: {  	[sflag:s29] =	ssyncadd.s32 $0xFFFFFFFF  }
0xb6: {  	_ =	strace $0x90000048  }
0xb7: {  	_ =	sfence  }
0xb8: {  	s30 =	sld [smem:$0x0];
	_ =	sdelay $0x2  }
0xb9: {  	s31 =	sshll.u32 s1, $0xD;
	s1 =	sshrl.u32 s1, $0x2  }
0xba: {  	s3 =	sand.u32 $0x4000, s31;
	s1 =	sadd.s32 s1, s30  }
0xbb: {  	s0 =	sor.u32 s3, s0;
	s1 =	sshll.u32 s1, $0x11  }
0xbc: {  	s0 =	sor.u32 s1, s0  }
0xbd: {  	s0 =	sadd.s32 $0x8F2B, s0  }
0xbe: {  	[sflag:s0] =	ssyncadd.remote.s32 $0x1  }
0xbf: {  	_ =	sfence.sel $0xFFFF  }
0xc0: {  	[dreg:$0x0] =	wrdreg $0xFFFFFFFF;
	(pc) =	sbr.abs _section_cstart, $3  }
0xc1: {  	[dreg:$0x1] =	wrdreg $0xFFFFFFFF  }
0xc2: {  	_ =	task.clear_ibuf [dreg:s7], $0x2FFFF;
	_ =	strace $0x9FFFFFFF  }
0xc3: {  	(tm) =	ssettm $0x7FFFFFFF  }
tec
execute0_lowered:
.L_overlay_start_1:
0x0: {  	(tag) =	ssettag $0x1  }
0x1: {  	s1 =	rddreg [dreg:$0x0]  }
0x2: {  	s7 =	rddreg [dreg:$0x1]  }
0x3: {  	s2 =	rddreg [dreg:$0x2]  }
0x4: {  	s0 =	rddreg [dreg:$0x3];
	s4 =	simm.s32 $0x0;
	s5 =	srdreg.scid  }
0x5: {  	s3 =	stileid.u32;
	s23 =	simm.s32 $0x80;
	s24 =	simm.s32 $0x0  }
0x6: {  	s29 =	simm.s32 $0x0;
	[smem:$0x7FF] =	sst s4;
	s13 =	sand.u32 $0x1, s5  }
0x7: {  	s5 =	sadd.s32 $0x2000, s7;
	s9 =	smul.u32 $0x50000, s3;
	s6 =	sadd.s32 $0x4E4000, s7  }
0x8: {  	s12 =	smul.u32 $0x14000, s3;
	s18 =	sadd.s32 $0x4E5000, s7;
	s7 =	sadd.s32 $0x4E4800, s7  }
0x9: {  	_ =	strace $0x80000047;
	s8 =	ssub.s32 $0x2, s13;
	s20 =	smul.u32 $0x140000, s13  }
0xa: {  	s13 =	sshll.u32 s13, $0x4;
	s10 =	sshrl.u32 s8, $0x1;
	s31 =	sshrl.u32 s9, $0x2  }
0xb: {  	s14 =	sadd.s32 $0x4000, s12;
	s16 =	sadd.s32 $0x8000, s12;
	s17 =	sadd.s32 $0xC000, s12  }
0xc: {  	s21 =	sadd.s32 $0x10000, s12;
	s19 =	ssub.s32 s8, s10;
	s8 =	sadd.s32 s31, s2  }
0xd: {  	s9 =	sadd.s32 s14, s2;
	s10 =	sadd.s32 s16, s2;
	s11 =	sadd.s32 s17, s2  }
0xe: {  	s15 =	sadd.s32 s12, s20;
	s14 =	sadd.s32 s20, s14;
	s12 =	sadd.s32 s21, s2  }
0xf: {  	s16 =	sadd.s32 s20, s16;
	s17 =	sadd.s32 s20, s17;
	s20 =	sadd.s32 s20, s21  }
.Ltmp0:
0x10: {  	s21 =	simm.s32 $0x1;
	s15 =	sshrl.u32 s15, $0x3;
	(pc) =	sbr.rel .LBB2_1-.Ltmp0, $4  }
0x11: {  	s22 =	sshrl.u32 s14, $0x3;
	s16 =	sshrl.u32 s16, $0x3;
	s17 =	sshrl.u32 s17, $0x3  }
0x12: {  	s20 =	sshrl.u32 s20, $0x3;
	s19 =	smax.u32 s19, $0x1;
	s14 =	sadd.s32 s18, s15  }
0x13: {  	s15 =	sadd.s32 s18, s22;
	s16 =	sadd.s32 s18, s16;
	s17 =	sadd.s32 s18, s17  }
0x14: {  	s18 =	sadd.s32 s18, s20;
	s20 =	simm.s32 $0x4080;
	s22 =	simm.s32 $0x2  }
.LBB2_7:
0x15: {  	[bflag:$0x0] =	sbarrier.arrive $0xFFFF  }
0x16: {  	[tilespmem:s20], [sflag:$0x1] =	stream.linear.gather [spmem:s8], $0x4000, $0x38;
	[tilespmem:$0x1C080] =	vst v63  }
0x17: {  	_ =	swait.ge [sflag:s21], $0x4000  }
0x18: {  	[sflag:s21] =	ssyncset.done $0x0  }
0x19: {  	[sflag:s21] =	ssyncadd.s32 $0xFFFFC000  }
0x1a: {  	[hbm4b:s14+s4] =	stream.linear.scatter [tilespmem:s20], [sflag:$0x1], $0x4000, $0x38;
	[tilespmem:$0x1C080] =	vst v63  }
0x1b: {  	_ =	swait.ge [sflag:s21], $0x4000  }
0x1c: {  	[sflag:s21] =	ssyncset.done $0x0  }
0x1d: {  	[sflag:s21] =	ssyncadd.s32 $0xFFFFC000  }
0x1e: {  	[tilespmem:s20], [sflag:$0x1] =	stream.linear.gather [spmem:s9], $0x4000, $0x38;
	[tilespmem:$0x1C080] =	vst v63  }
0x1f: {  	_ =	swait.ge [sflag:s21], $0x4000  }
0x20: {  	[sflag:s21] =	ssyncset.done $0x0  }
0x21: {  	[sflag:s21] =	ssyncadd.s32 $0xFFFFC000  }
0x22: {  	[hbm4b:s15+s4] =	stream.linear.scatter [tilespmem:s20], [sflag:$0x1], $0x4000, $0x38;
	[tilespmem:$0x1C080] =	vst v63  }
0x23: {  	_ =	swait.ge [sflag:s21], $0x4000  }
0x24: {  	[sflag:s21] =	ssyncset.done $0x0  }
0x25: {  	[sflag:s21] =	ssyncadd.s32 $0xFFFFC000  }
0x26: {  	[tilespmem:s20], [sflag:$0x1] =	stream.linear.gather [spmem:s10], $0x4000, $0x38;
	[tilespmem:$0x1C080] =	vst v63  }
0x27: {  	_ =	swait.ge [sflag:s21], $0x4000  }
0x28: {  	[sflag:s21] =	ssyncset.done $0x0  }
0x29: {  	[sflag:s21] =	ssyncadd.s32 $0xFFFFC000  }
0x2a: {  	[hbm4b:s16+s4] =	stream.linear.scatter [tilespmem:s20], [sflag:$0x1], $0x4000, $0x38;
	[tilespmem:$0x1C080] =	vst v63  }
0x2b: {  	_ =	swait.ge [sflag:s21], $0x4000  }
0x2c: {  	[sflag:s21] =	ssyncset.done $0x0  }
0x2d: {  	[sflag:s21] =	ssyncadd.s32 $0xFFFFC000  }
0x2e: {  	[tilespmem:s20], [sflag:$0x1] =	stream.linear.gather [spmem:s11], $0x4000, $0x38;
	[tilespmem:$0x1C080] =	vst v63  }
0x2f: {  	_ =	swait.ge [sflag:s21], $0x4000  }
0x30: {  	[sflag:s21] =	ssyncset.done $0x0  }
0x31: {  	[sflag:s21] =	ssyncadd.s32 $0xFFFFC000  }
0x32: {  	[hbm4b:s17+s4] =	stream.linear.scatter [tilespmem:s20], [sflag:$0x1], $0x4000, $0x38;
	[tilespmem:$0x1C080] =	vst v63  }
0x33: {  	_ =	swait.ge [sflag:s21], $0x4000  }
0x34: {  	[sflag:s21] =	ssyncset.done $0x0  }
0x35: {  	[sflag:s21] =	ssyncadd.s32 $0xFFFFC000  }
0x36: {  	[tilespmem:s20], [sflag:$0x1] =	stream.linear.gather [spmem:s12], $0x4000, $0x38;
	[tilespmem:$0x1C080] =	vst v63  }
0x37: {  	s24 =	sadd.s32 $0x1, s24;
	_ =	swait.ge [sflag:s21], $0x4000  }
0x38: {  	p0 =	sne.s32 s24, s19;
	[sflag:s21] =	ssyncset.done $0x0  }
.Ltmp1:
0x39: {  	[sflag:s21] =	ssyncadd.s32 $0xFFFFC000;
	(pc) =	sbr.rel @!p0 .LBB2_8-.Ltmp1, $4  }
0x3a: {  	[hbm4b:s18+s4] =	stream.linear.scatter [tilespmem:s20], [sflag:$0x1], $0x4000, $0x38;
	[tilespmem:$0x1C080] =	vst v63  }
0x3b: {  	_ =	swait.ge [sflag:s21], $0x4000  }
0x3c: {  	[sflag:s21] =	ssyncset.done $0x0  }
0x3d: {  	[sflag:s21] =	ssyncadd.s32 $0xFFFFC000  }
.LBB2_1:
0x3e: {  	[tilespmem:s20], [sflag:$0x1] =	stream.linear.gather [hbm4b:s7+s4], $0x4000, $0x38;
	[tilespmem:$0x1C080] =	vst v63  }
0x3f: {  	_ =	swait.ge [sflag:s21], $0x4000  }
0x40: {  	[sflag:s21] =	ssyncset.done $0x0  }
0x41: {  	[sflag:s21] =	ssyncadd.s32 $0xFFFFC000  }
0x42: {  	[spmem:s8] =	stream.linear.scatter [tilespmem:s20], [sflag:$0x1], $0x4000, $0x38;
	[tilespmem:$0x1C080] =	vst v63  }
0x43: {  	_ =	swait.ge [sflag:s21], $0x4000  }
0x44: {  	[sflag:s21] =	ssyncset.done $0x0  }
0x45: {  	[sflag:s21] =	ssyncadd.s32 $0xFFFFC000  }
0x46: {  	[spmem:s9] =	stream.linear.scatter [tilespmem:s20], [sflag:$0x1], $0x4000, $0x38;
	[tilespmem:$0x1C080] =	vst v63  }
0x47: {  	_ =	swait.ge [sflag:s21], $0x4000  }
0x48: {  	[sflag:s21] =	ssyncset.done $0x0  }
0x49: {  	[sflag:s21] =	ssyncadd.s32 $0xFFFFC000  }
0x4a: {  	[spmem:s10] =	stream.linear.scatter [tilespmem:s20], [sflag:$0x1], $0x4000, $0x38;
	[tilespmem:$0x1C080] =	vst v63  }
0x4b: {  	_ =	swait.ge [sflag:s21], $0x4000  }
0x4c: {  	[sflag:s21] =	ssyncset.done $0x0  }
0x4d: {  	[sflag:s21] =	ssyncadd.s32 $0xFFFFC000  }
0x4e: {  	[spmem:s11] =	stream.linear.scatter [tilespmem:s20], [sflag:$0x1], $0x4000, $0x38;
	[tilespmem:$0x1C080] =	vst v63  }
0x4f: {  	_ =	swait.ge [sflag:s21], $0x4000  }
0x50: {  	[sflag:s21] =	ssyncset.done $0x0  }
0x51: {  	[sflag:s21] =	ssyncadd.s32 $0xFFFFC000  }
0x52: {  	[spmem:s12] =	stream.linear.scatter [tilespmem:s20], [sflag:$0x1], $0x4000, $0x38;
	[tilespmem:$0x1C080] =	vst v63  }
0x53: {  	_ =	swait.ge [sflag:s21], $0x4000  }
0x54: {  	[sflag:s21] =	ssyncset.done $0x0  }
0x55: {  	[sflag:s21] =	ssyncadd.s32 $0xFFFFC000  }
0x56: {  	[tilespmem:s20], [sflag:$0x1] =	stream.linear.gather [hbm4b:s6+s4], $0x4000, $0x38;
	[tilespmem:$0x1C080] =	vst v63  }
.Ltmp2:
0x57: {  	_ =	swait.ge [sflag:s21], $0x4000;
	(pc) =	sbr.rel .LBB2_2-.Ltmp2, $4  }
0x58: {  	[sflag:s21] =	ssyncset.done $0x0  }
0x59: {  	[sflag:s21] =	ssyncadd.s32 $0xFFFFC000  }
0x5a: {  	[bflag:$0x0] =	sbarrier.arrive $0xFFFF  }
0x5b: {  	s25 =	simm.s32 $0x0  }
.LBB2_6:
0x5c: {  	s25 =	sadd.s32 $0x1, s25  }
0x5d: {  	p0 =	sne.s32 s25, $0x9D  }
.Ltmp3:
0x5e: {  	_ = 	snop;
	(pc) =	sbr.rel @!p0 .LBB2_7-.Ltmp3, $1  }
0x5f: {  	_ =	sdelay $0x3  }
.LBB2_2:
0x60: {  	s26 =	sshll.u32 s25, $0x4  }
0x61: {  	s26 =	sor.u32 s3, s26  }
0x62: {  	p0 =	sgt.u32 s26, $0x9C3  }
.Ltmp4:
0x63: {  	_ = 	snop;
	(pc) =	sbr.rel @p0 .LBB2_6-.Ltmp4, $1  }
0x64: {  	_ =	sdelay $0x3  }
0x65: {  	s28 =	sshll.u32 s26, $0x5  }
0x66: {  	s28 =	sor.u32 s13, s28  }
0x67: {  	s28 =	sxor.u32 $0x10, s28  }
0x68: {  	s28 =	sadd.s32 s1, s28  }
0x69: {  	[tilespmem:s29], [sflag:$0x2] =	stream.linear.gather [hbm4b:s28+s29], $0x80, $0x38;
	[tilespmem:$0x1C080] =	vst v63  }
0x6a: {  	_ =	swait.ge [sflag:s22], $0x80  }
0x6b: {  	s31 =	sshll.u32 s26, $0xB;
	[sflag:s22] =	ssyncset.done $0x0  }
0x6c: {  	s26 =	sadd.s32 s5, s31;
	[sflag:s22] =	ssyncadd.s32 $0xFFFFFF80  }
0x6d: {  	[tilespmem:s23], [sflag:$0x2] =	stream.linear.gather [hbm4b:s26+s29], $0x4000, $0x38;
	[tilespmem:$0x1C080] =	vst v63  }
0x6e: {  	_ =	swait.ge [sflag:s22], $0x4000  }
0x6f: {  	[sflag:s22] =	ssyncset.done $0x0  }
0x70: {  	s26 =	simm.s32 $0x0;
	[sflag:s22] =	ssyncadd.s32 $0xFFFFC000  }
0x71: {  	s28 =	simm.s32 $0x200;
	v0 =	vld [tilespmem:s26+$0x80]  }
.LBB2_4:
0x72: {  	p0 =	sne.s32 s28, $0xFE00  }
.Ltmp5:
0x73: {  	_ = 	snop;
	(pc) =	sbr.rel @p0 .LBB2_4-.Ltmp5, $3  }
0x74: {  	_ =	sdelay $0x1  }
0x75: {  	[tilespmem:s26+$0x4080] =	vst v0;
	s26 =	sshra.s32 s28, $0x2;
	s28 =	sadd.s32 $0x200, s28  }
0x76: {  	v0 =	vld [tilespmem:s26+$0x80]  }
0x77: {  	_ =	sdelay $0x3  }
.Ltmp6:
0x78: {  	[tilespmem:s26+$0x4080] =	vst v0;
	(pc) =	sbr.rel .LBB2_6-.Ltmp6, $4  }
0x79: {  	[spmem:s2] =	stream.indirect.scatter.add.f32 [tilespmem:s20], [sflag:$0x1], $0x80, s4, s23, $0xb8;
	[tilespmem:$0x1C080] =	vst v63  }
0x7a: {  	_ =	swait.ge [sflag:s21], $0x4000  }
0x7b: {  	[sflag:s21] =	ssyncset.done $0x0  }
0x7c: {  	[sflag:s21] =	ssyncadd.s32 $0xFFFFC000  }
.LBB2_8:
0x7d: {  	_ =	sfence.sel $0x180000  }
0x7e: {  	[bflag:$0x0] =	sbarrier.arrive $0xFFFF  }
0x7f: {  	p0 =	sne.s32 s3, $0x0;
	_ =	strace $0x90000047  }
0x80: {  	s0 =	sadd.s32 @!p0 $0x100000, s0;
	[bflag:$0x2] =	sbarrier.arrive $0xFFFF  }
0x81: {  	[sflag:s0] =	ssyncadd.tile.s32 @!p0 $0x1;
	_ =	shalt  }
.Lfunc_end2:
_tile_overlayer_lowered:
.L_overlay_start_2:
0x82: {  	(tag) =	ssettag $0x2  }
0x83: {  	s0 =	rddreg [dreg:$0x0];
	s2 =	stileid.u32  }
0x84: {  	s1 =	rddreg [dreg:$0x1];
	p0 =	sne.s32 s2, $0x0  }
0x85: {  	s3 =	rddreg [dreg:$0x2];
	[bflag:$0x3] =	sbarrier.arrive $0xFFFF;
	s2 =	simm.s32 @!p0 $0x1C01  }
0x86: {  	[timem:s3], [sflag:s2] =	dma.local @!p0 [hbm:s0], s1  }
0x87: {  	s0 =	simm.s32 @!p0 $0x1  }
0x88: {  	_ =	swait.ge @!p0 [sflag:s0], s1  }
0x89: {  	s1 =	ssub.s32 @!p0 $0x0, s1;
	[sflag:s0] =	ssyncset.done @!p0 $0x0  }
0x8a: {  	[sflag:s0] =	ssyncadd.s32 @!p0 s1  }
0x8b: {  	[bflag:$0x3] =	sbarrier.arrive $0xFFFF  }
0x8c: {  	_ =	shalt  }

</sc_bundles>
